<compile_context>
chip_gen: v7x
topology: tpu7x:2x2x1
jax: 0.10.2.dev20260603
libtpu: 0.0.44.dev20260713+nightly
codegen_flags: <defaults>
</compile_context>

<pallas_src>
import jax
import jax.numpy as jnp
import numpy as np
from jax import lax
from jax.experimental import pallas as pl
from jax.experimental.pallas import tpu as pltpu
from jax.experimental.pallas import tpu_sc as plsc

NUM_CLASS = 1000
BATCH = 1024
SEQ = 20
NUM_WORKERS = 32
C_CHUNK = 40
NUM_C_CHUNKS = NUM_CLASS // C_CHUNK
NUM_REGIONS = SEQ * NUM_C_CHUNKS
MAX_SLOTS = -(-NUM_REGIONS // NUM_WORKERS)
LANES = 16
B_GROUPS = BATCH // LANES
UNROLL = 8
_ZEROS = np.zeros((40, 1024), np.float32)


def _scan_region(buf, x_v, t, c0, value):
    lane = lax.iota(jnp.int32, LANES)
    vals = jnp.full((LANES,), value, dtype=jnp.float32)

    def group(g, _):
        for u in range(UNROLL):
            b0 = (g * UNROLL + u) * LANES
            bvec = b0 + lane
            c = plsc.load_gather(x_v, [t * BATCH + bvec])
            cl = c - c0
            mask = (cl >= 0) & (cl < C_CHUNK)
            plsc.store_scatter(buf, [cl, bvec], vals, mask=mask)
        return _

    lax.fori_loop(0, B_GROUPS // UNROLL, group, None)


def _body(x_hbm, zeros_hbm, out_hbm, x_v, buf0, buf1, sem0, sem1):
    nc = 2
    wid = lax.axis_index("s") * nc + lax.axis_index("c")

    pltpu.sync_copy(x_hbm, x_v)
    pltpu.sync_copy(zeros_hbm, buf0)
    pltpu.sync_copy(zeros_hbm, buf1)

    bufs = (buf0, buf1)
    sems = (sem0, sem1)

    def region_coords(r):
        return r // NUM_C_CHUNKS, (r % NUM_C_CHUNKS) * C_CHUNK

    def slot_copy(buf, sem, r):
        t, c0 = region_coords(r)
        return pltpu.make_async_copy(buf, out_hbm.at[t, pl.ds(c0, C_CHUNK)], sem)

    def pair_body(j, _):
        for k in (0, 1):
            buf, sem = bufs[k], sems[k]
            s = 2 * j + k
            r = wid + s * NUM_WORKERS

            @pl.when(s >= 2)
            def _():
                rp = r - 2 * NUM_WORKERS
                slot_copy(buf, sem, rp).wait()
                tp, cp = region_coords(rp)
                _scan_region(buf, x_v, tp, cp, 0.0)

            @pl.when(r < NUM_REGIONS)
            def _():
                t, c0 = region_coords(r)
                _scan_region(buf, x_v, t, c0, 1.0)
                slot_copy(buf, sem, r).start()
        return _

    lax.fori_loop(0, MAX_SLOTS // 2, pair_body, None)

    r14 = wid + (MAX_SLOTS - 2) * NUM_WORKERS
    slot_copy(bufs[0], sems[0], r14).wait()
    r15 = wid + (MAX_SLOTS - 1) * NUM_WORKERS

    @pl.when(r15 < NUM_REGIONS)
    def _():
        slot_copy(bufs[1], sems[1], r15).wait()


@jax.jit
def _one_hot_t(x_flat):
    mesh = plsc.VectorSubcoreMesh(core_axis_name="c", subcore_axis_name="s")
    fn = pl.kernel(
        _body,
        out_type=jax.ShapeDtypeStruct((SEQ, NUM_CLASS, BATCH), jnp.float32),
        mesh=mesh,
        scratch_types=[
            pltpu.VMEM((BATCH * SEQ,), jnp.int32),
            pltpu.VMEM((C_CHUNK, BATCH), jnp.float32),
            pltpu.VMEM((C_CHUNK, BATCH), jnp.float32),
            pltpu.SemaphoreType.DMA,
            pltpu.SemaphoreType.DMA,
        ],
        compiler_params=pltpu.CompilerParams(
            needs_layout_passes=False, use_tc_tiling_on_sc=True
        ),
    )
    zeros = jnp.asarray(_ZEROS)
    return fn(x_flat, zeros)


def kernel(x, table):
    del table
    out_t = _one_hot_t(x.T.reshape(-1))
    return jnp.transpose(out_t, (2, 0, 1))

# --- scband reference (transcript-rebuilt; emitter-appended) ---
"""Pipeline reference for scband-one-hot-embedding-45681272160757 (READ-ONLY COPY).

The authoritative reference and input builder live on the scoring server;
editing this copy changes nothing except your own understanding.
"""

import jax, jax.numpy as jnp
import numpy as np

NUM_CLASS = 1000


def setup_inputs(seed: int = 0) -> dict:
    key = jax.random.key(seed)
    x = jax.random.randint(key, (1024, 20), 0, NUM_CLASS, dtype=jnp.int32)
    # Frozen one-hot embedding table: identity matrix [num_class, num_class]
    table = jnp.eye(NUM_CLASS, dtype=jnp.float32)
    return {"x": x, "table": table}


def reference(x, table):
    # nn.Embedding lookup: gather rows of the identity table -> one-hot vectors
    # out[b, t, :] = table[x[b, t], :]
    return jnp.take(table, x, axis=0)

if __name__ == "__main__":
    import jax
    _d = setup_inputs()
    print(jax.jit(kernel)(*tuple(_d.values())))

</pallas_src>

<mosaic_0001>
#map = affine_map<(d0, d1) -> (0)>
#map1 = affine_map<(d0, d1) -> (0, 0)>
#map2 = affine_map<(d0, d1) -> (0, 0, 0)>
module attributes {stable_mosaic.version = 14 : i64} {
  func.func @_body(%arg0: i32, %arg1: i32, %arg2: memref<20480xi32, #tpu.memory_space<hbm>>, %arg3: memref<40x1024xf32, #tpu.memory_space<hbm>>, %arg4: memref<20x1000x1024xf32, #tpu.memory_space<hbm>>, %arg5: memref<20480xi32, #tpu.memory_space<vmem>>, %arg6: memref<40x1024xf32, #tpu.memory_space<vmem>>, %arg7: memref<40x1024xf32, #tpu.memory_space<vmem>>, %arg8: memref<!tpu.dma_semaphore, #tpu.memory_space<semaphore_mem>>, %arg9: memref<!tpu.dma_semaphore, #tpu.memory_space<semaphore_mem>>) attributes {dimension_semantics = [#tpu.dimension_semantics<core_parallel>, #tpu.dimension_semantics<subcore_parallel>], iteration_bounds = array<i64: 2, 16>, scalar_prefetch = 0 : i64, scratch_operands = 5 : i64, tpu.core_type = #tpu.core_type<sc_vector_subcore>, window_params = [{transform_indices = #map}, {transform_indices = #map1}, {transform_indices = #map2}]} {
    %mul3A = arith.constant 2 : i32
    %mul3A_0 = arith.muli %arg1, %mul3A : i32
    %add3A = arith.addi %mul3A_0, %arg0 : i32
    "tpu.region"() ({
      %run_scoped3A = tpu.sem_alloc : memref<!tpu.dma_semaphore, #tpu.memory_space<semaphore_mem>>
      tpu.enqueue_dma source(%arg2 : memref<20480xi32, #tpu.memory_space<hbm>>) target(%arg5 : memref<20480xi32, #tpu.memory_space<vmem>>) target_semaphore(%run_scoped3A : memref<!tpu.dma_semaphore, #tpu.memory_space<semaphore_mem>>)
      tpu.wait_dma2 semaphore(%run_scoped3A : memref<!tpu.dma_semaphore, #tpu.memory_space<semaphore_mem>>) src(%arg2 : memref<20480xi32, #tpu.memory_space<hbm>>) dst(%arg5 : memref<20480xi32, #tpu.memory_space<vmem>>)
      tpu.yield
    }) : () -> ()
    "tpu.region"() ({
      %run_scoped3A = tpu.sem_alloc : memref<!tpu.dma_semaphore, #tpu.memory_space<semaphore_mem>>
      tpu.enqueue_dma source(%arg3 : memref<40x1024xf32, #tpu.memory_space<hbm>>) target(%arg6 : memref<40x1024xf32, #tpu.memory_space<vmem>>) target_semaphore(%run_scoped3A : memref<!tpu.dma_semaphore, #tpu.memory_space<semaphore_mem>>)
      tpu.wait_dma2 semaphore(%run_scoped3A : memref<!tpu.dma_semaphore, #tpu.memory_space<semaphore_mem>>) src(%arg3 : memref<40x1024xf32, #tpu.memory_space<hbm>>) dst(%arg6 : memref<40x1024xf32, #tpu.memory_space<vmem>>)
      tpu.yield
    }) : () -> ()
    "tpu.region"() ({
      %run_scoped3A = tpu.sem_alloc : memref<!tpu.dma_semaphore, #tpu.memory_space<semaphore_mem>>
      tpu.enqueue_dma source(%arg3 : memref<40x1024xf32, #tpu.memory_space<hbm>>) target(%arg7 : memref<40x1024xf32, #tpu.memory_space<vmem>>) target_semaphore(%run_scoped3A : memref<!tpu.dma_semaphore, #tpu.memory_space<semaphore_mem>>)
      tpu.wait_dma2 semaphore(%run_scoped3A : memref<!tpu.dma_semaphore, #tpu.memory_space<semaphore_mem>>) src(%arg3 : memref<40x1024xf32, #tpu.memory_space<hbm>>) dst(%arg7 : memref<40x1024xf32, #tpu.memory_space<vmem>>)
      tpu.yield
    }) : () -> ()
    %scan3A = arith.constant 0 : i32
    %scan3A_1 = arith.constant 8 : i32
    %scan3A_2 = arith.addi %scan3A, %scan3A_1 : i32
    %scan3A_3 = arith.constant 1 : i32
    scf.for %scan3A_49 = %scan3A to %scan3A_2 step %scan3A_3  : i32 {
      %mul3A_50 = arith.constant 2 : i32
      %mul3A_51 = arith.muli %mul3A_50, %scan3A_49 : i32
      %add3A_52 = arith.constant 0 : i32
      %add3A_53 = arith.addi %mul3A_51, %add3A_52 : i32
      %mul3A_54 = arith.constant 32 : i32
      %mul3A_55 = arith.muli %add3A_53, %mul3A_54 : i32
      %add3A_56 = arith.addi %add3A, %mul3A_55 : i32
      %ge3A = arith.constant 2 : i32
      %ge3A_57 = arith.cmpi sge, %add3A_53, %ge3A : i32
      %convert_element_type3A_58 = arith.extui %ge3A_57 : i1 to i32
      %cond3A_59 = arith.constant 0 : i32
      %cond3A_60 = arith.cmpi ne, %convert_element_type3A_58, %cond3A_59 : i32
      scf.if %cond3A_60 {
        %sub3A_83 = arith.constant 64 : i32
        %sub3A_84 = arith.subi %add3A_56, %sub3A_83 : i32
        %jit3A_85 = arith.constant 25 : i32
        %div3A_86 = arith.divsi %sub3A_84, %jit3A_85 : i32
        %sign3A_87 = arith.constant 0 : i32
        %sign3A_88 = arith.cmpi sgt, %sub3A_84, %sign3A_87 : i32
        %sign3A_89 = arith.extui %sign3A_88 : i1 to i32
        %sign3A_90 = arith.constant 0 : i32
        %sign3A_91 = arith.cmpi slt, %sub3A_84, %sign3A_90 : i32
        %sign3A_92 = arith.extui %sign3A_91 : i1 to i32
        %sign3A_93 = arith.subi %sign3A_89, %sign3A_92 : i32
        %sign3A_94 = arith.constant 0 : i32
        %sign3A_95 = arith.cmpi sgt, %jit3A_85, %sign3A_94 : i32
        %sign3A_96 = arith.extui %sign3A_95 : i1 to i32
        %sign3A_97 = arith.constant 0 : i32
        %sign3A_98 = arith.cmpi slt, %jit3A_85, %sign3A_97 : i32
        %sign3A_99 = arith.extui %sign3A_98 : i1 to i32
        %sign3A_100 = arith.subi %sign3A_96, %sign3A_99 : i32
        %ne3A_101 = arith.cmpi ne, %sign3A_93, %sign3A_100 : i32
        %rem3A_102 = arith.remsi %sub3A_84, %jit3A_85 : i32
        %ne3A_103 = arith.constant 0 : i32
        %ne3A_104 = arith.cmpi ne, %rem3A_102, %ne3A_103 : i32
        %and3A_105 = arith.andi %ne3A_101, %ne3A_104 : i1
        %sub3A_106 = arith.constant 1 : i32
        %sub3A_107 = arith.subi %div3A_86, %sub3A_106 : i32
        %select_n3A_108 = arith.select %and3A_105, %sub3A_107, %div3A_86 : i32
        %jit3A_109 = arith.constant 25 : i32
        %eq3A_110 = arith.constant 0 : i32
        %eq3A_111 = arith.cmpi eq, %jit3A_109, %eq3A_110 : i32
        %jit3A_112 = arith.constant 1 : i32
        %select_n3A_113 = arith.select %eq3A_111, %jit3A_112, %jit3A_109 : i32
        %rem3A_114 = arith.remsi %sub3A_84, %select_n3A_113 : i32
        %ne3A_115 = arith.constant 0 : i32
        %ne3A_116 = arith.cmpi ne, %rem3A_114, %ne3A_115 : i32
        %lt3A_117 = arith.constant 0 : i32
        %lt3A_118 = arith.cmpi slt, %rem3A_114, %lt3A_117 : i32
        %lt3A_119 = arith.constant 0 : i32
        %lt3A_120 = arith.cmpi slt, %select_n3A_113, %lt3A_119 : i32
        %ne3A_121 = arith.xori %lt3A_118, %lt3A_120 : i1
        %and3A_122 = arith.andi %ne3A_121, %ne3A_116 : i1
        %add3A_123 = arith.addi %rem3A_114, %select_n3A_113 : i32
        %select_n3A_124 = arith.select %and3A_122, %add3A_123, %rem3A_114 : i32
        %mul3A_125 = arith.constant 40 : i32
        %mul3A_126 = arith.muli %select_n3A_124, %mul3A_125 : i32
        %dma_wait3A_127 = arith.constant 0 : i32
        %dma_wait3A_128 = tpu.memref_slice %arg4[%select_n3A_108, %mul3A_126, %dma_wait3A_127] : memref<20x1000x1024xf32, #tpu.memory_space<hbm>> -> memref<1x40x1024xf32, #tpu.memory_space<hbm>>
        %dma_wait3A_129 = tpu.memref_squeeze %dma_wait3A_128 : memref<1x40x1024xf32, #tpu.memory_space<hbm>> -> memref<40x1024xf32, #tpu.memory_space<hbm>>
        %dma_wait3A_130 = arith.constant 0 : i32
        %dma_wait3A_131 = tpu.memref_slice %arg4[%select_n3A_108, %mul3A_126, %dma_wait3A_130] : memref<20x1000x1024xf32, #tpu.memory_space<hbm>> -> memref<1x40x1024xf32, #tpu.memory_space<hbm>>
        %dma_wait3A_132 = tpu.memref_squeeze %dma_wait3A_131 : memref<1x40x1024xf32, #tpu.memory_space<hbm>> -> memref<40x1024xf32, #tpu.memory_space<hbm>>
        tpu.wait_dma2 semaphore(%arg8 : memref<!tpu.dma_semaphore, #tpu.memory_space<semaphore_mem>>) src(%arg6 : memref<40x1024xf32, #tpu.memory_space<vmem>>) dst(%dma_wait3A_132 : memref<40x1024xf32, #tpu.memory_space<hbm>>)
        %jit3A_133 = arith.constant 25 : i32
        %div3A_134 = arith.divsi %sub3A_84, %jit3A_133 : i32
        %sign3A_135 = arith.constant 0 : i32
        %sign3A_136 = arith.cmpi sgt, %sub3A_84, %sign3A_135 : i32
        %sign3A_137 = arith.extui %sign3A_136 : i1 to i32
        %sign3A_138 = arith.constant 0 : i32
        %sign3A_139 = arith.cmpi slt, %sub3A_84, %sign3A_138 : i32
        %sign3A_140 = arith.extui %sign3A_139 : i1 to i32
        %sign3A_141 = arith.subi %sign3A_137, %sign3A_140 : i32
        %sign3A_142 = arith.constant 0 : i32
        %sign3A_143 = arith.cmpi sgt, %jit3A_133, %sign3A_142 : i32
        %sign3A_144 = arith.extui %sign3A_143 : i1 to i32
        %sign3A_145 = arith.constant 0 : i32
        %sign3A_146 = arith.cmpi slt, %jit3A_133, %sign3A_145 : i32
        %sign3A_147 = arith.extui %sign3A_146 : i1 to i32
        %sign3A_148 = arith.subi %sign3A_144, %sign3A_147 : i32
        %ne3A_149 = arith.cmpi ne, %sign3A_141, %sign3A_148 : i32
        %rem3A_150 = arith.remsi %sub3A_84, %jit3A_133 : i32
        %ne3A_151 = arith.constant 0 : i32
        %ne3A_152 = arith.cmpi ne, %rem3A_150, %ne3A_151 : i32
        %and3A_153 = arith.andi %ne3A_149, %ne3A_152 : i1
        %sub3A_154 = arith.constant 1 : i32
        %sub3A_155 = arith.subi %div3A_134, %sub3A_154 : i32
        %select_n3A_156 = arith.select %and3A_153, %sub3A_155, %div3A_134 : i32
        %jit3A_157 = arith.constant 25 : i32
        %eq3A_158 = arith.constant 0 : i32
        %eq3A_159 = arith.cmpi eq, %jit3A_157, %eq3A_158 : i32
        %jit3A_160 = arith.constant 1 : i32
        %select_n3A_161 = arith.select %eq3A_159, %jit3A_160, %jit3A_157 : i32
        %rem3A_162 = arith.remsi %sub3A_84, %select_n3A_161 : i32
        %ne3A_163 = arith.constant 0 : i32
        %ne3A_164 = arith.cmpi ne, %rem3A_162, %ne3A_163 : i32
        %lt3A_165 = arith.constant 0 : i32
        %lt3A_166 = arith.cmpi slt, %rem3A_162, %lt3A_165 : i32
        %lt3A_167 = arith.constant 0 : i32
        %lt3A_168 = arith.cmpi slt, %select_n3A_161, %lt3A_167 : i32
        %ne3A_169 = arith.xori %lt3A_166, %lt3A_168 : i1
        %and3A_170 = arith.andi %ne3A_169, %ne3A_164 : i1
        %add3A_171 = arith.addi %rem3A_162, %select_n3A_161 : i32
        %select_n3A_172 = arith.select %and3A_170, %add3A_171, %rem3A_162 : i32
        %mul3A_173 = arith.constant 40 : i32
        %mul3A_174 = arith.muli %select_n3A_172, %mul3A_173 : i32
        %iota3A = tpu.iota {dimensions = array<i32: 0>} : vector<16xi32>
        %broadcast_in_dim3A = arith.constant 0.000000e+00 : f32
        %broadcast_in_dim3A_175 = vector.broadcast %broadcast_in_dim3A : f32 to vector<16xf32>
        %scan3A_176 = arith.constant 0 : i32
        %scan3A_177 = arith.constant 8 : i32
        %scan3A_178 = arith.addi %scan3A_176, %scan3A_177 : i32
        %scan3A_179 = arith.constant 1 : i32
        scf.for %scan3A_181 = %scan3A_176 to %scan3A_178 step %scan3A_179  : i32 {
          %mul3A_182 = arith.constant 8 : i32
          %mul3A_183 = arith.muli %scan3A_181, %mul3A_182 : i32
          %add3A_184 = arith.constant 0 : i32
          %add3A_185 = arith.addi %mul3A_183, %add3A_184 : i32
          %mul3A_186 = arith.constant 16 : i32
          %mul3A_187 = arith.muli %add3A_185, %mul3A_186 : i32
          %add3A_188 = vector.broadcast %mul3A_187 : i32 to vector<16xi32>
          %add3A_189 = arith.addi %add3A_188, %iota3A : vector<16xi32>
          %mul3A_190 = arith.constant 1024 : i32
          %mul3A_191 = arith.muli %select_n3A_156, %mul3A_190 : i32
          %add3A_192 = vector.broadcast %mul3A_191 : i32 to vector<16xi32>
          %add3A_193 = arith.addi %add3A_192, %add3A_189 : vector<16xi32>
          %gather3A = tpu.vector_load_idx %arg5[%add3A_193] : memref<20480xi32, #tpu.memory_space<vmem>>[vector<16xi32>], vector<16xi32>,
          %sub3A_194 = vector.broadcast %mul3A_174 : i32 to vector<16xi32>
          %sub3A_195 = arith.subi %gather3A, %sub3A_194 : vector<16xi32>
          %ge3A_196 = arith.constant 0 : i32
          %ge3A_197 = vector.broadcast %ge3A_196 : i32 to vector<16xi32>
          %ge3A_198 = arith.cmpi sge, %sub3A_195, %ge3A_197 : vector<16xi32>
          %lt3A_199 = arith.constant 40 : i32
          %lt3A_200 = vector.broadcast %lt3A_199 : i32 to vector<16xi32>
          %lt3A_201 = arith.cmpi slt, %sub3A_195, %lt3A_200 : vector<16xi32>
          %and3A_202 = arith.andi %ge3A_198, %lt3A_201 : vector<16xi1>
          tpu.vector_store_idx %arg6[%sub3A_195, %add3A_189], %broadcast_in_dim3A_175 masked %and3A_202 : memref<40x1024xf32, #tpu.memory_space<vmem>>[vector<16xi32>, vector<16xi32>], vector<16xf32>, vector<16xi1>
          %mul3A_203 = arith.constant 8 : i32
          %mul3A_204 = arith.muli %scan3A_181, %mul3A_203 : i32
          %add3A_205 = arith.constant 1 : i32
          %add3A_206 = arith.addi %mul3A_204, %add3A_205 : i32
          %mul3A_207 = arith.constant 16 : i32
          %mul3A_208 = arith.muli %add3A_206, %mul3A_207 : i32
          %add3A_209 = vector.broadcast %mul3A_208 : i32 to vector<16xi32>
          %add3A_210 = arith.addi %add3A_209, %iota3A : vector<16xi32>
          %mul3A_211 = arith.constant 1024 : i32
          %mul3A_212 = arith.muli %select_n3A_156, %mul3A_211 : i32
          %add3A_213 = vector.broadcast %mul3A_212 : i32 to vector<16xi32>
          %add3A_214 = arith.addi %add3A_213, %add3A_210 : vector<16xi32>
          %gather3A_215 = tpu.vector_load_idx %arg5[%add3A_214] : memref<20480xi32, #tpu.memory_space<vmem>>[vector<16xi32>], vector<16xi32>,
          %sub3A_216 = vector.broadcast %mul3A_174 : i32 to vector<16xi32>
          %sub3A_217 = arith.subi %gather3A_215, %sub3A_216 : vector<16xi32>
          %ge3A_218 = arith.constant 0 : i32
          %ge3A_219 = vector.broadcast %ge3A_218 : i32 to vector<16xi32>
          %ge3A_220 = arith.cmpi sge, %sub3A_217, %ge3A_219 : vector<16xi32>
          %lt3A_221 = arith.constant 40 : i32
          %lt3A_222 = vector.broadcast %lt3A_221 : i32 to vector<16xi32>
          %lt3A_223 = arith.cmpi slt, %sub3A_217, %lt3A_222 : vector<16xi32>
          %and3A_224 = arith.andi %ge3A_220, %lt3A_223 : vector<16xi1>
          tpu.vector_store_idx %arg6[%sub3A_217, %add3A_210], %broadcast_in_dim3A_175 masked %and3A_224 : memref<40x1024xf32, #tpu.memory_space<vmem>>[vector<16xi32>, vector<16xi32>], vector<16xf32>, vector<16xi1>
          %mul3A_225 = arith.constant 8 : i32
          %mul3A_226 = arith.muli %scan3A_181, %mul3A_225 : i32
          %add3A_227 = arith.constant 2 : i32
          %add3A_228 = arith.addi %mul3A_226, %add3A_227 : i32
          %mul3A_229 = arith.constant 16 : i32
          %mul3A_230 = arith.muli %add3A_228, %mul3A_229 : i32
          %add3A_231 = vector.broadcast %mul3A_230 : i32 to vector<16xi32>
          %add3A_232 = arith.addi %add3A_231, %iota3A : vector<16xi32>
          %mul3A_233 = arith.constant 1024 : i32
          %mul3A_234 = arith.muli %select_n3A_156, %mul3A_233 : i32
          %add3A_235 = vector.broadcast %mul3A_234 : i32 to vector<16xi32>
          %add3A_236 = arith.addi %add3A_235, %add3A_232 : vector<16xi32>
          %gather3A_237 = tpu.vector_load_idx %arg5[%add3A_236] : memref<20480xi32, #tpu.memory_space<vmem>>[vector<16xi32>], vector<16xi32>,
          %sub3A_238 = vector.broadcast %mul3A_174 : i32 to vector<16xi32>
          %sub3A_239 = arith.subi %gather3A_237, %sub3A_238 : vector<16xi32>
          %ge3A_240 = arith.constant 0 : i32
          %ge3A_241 = vector.broadcast %ge3A_240 : i32 to vector<16xi32>
          %ge3A_242 = arith.cmpi sge, %sub3A_239, %ge3A_241 : vector<16xi32>
          %lt3A_243 = arith.constant 40 : i32
          %lt3A_244 = vector.broadcast %lt3A_243 : i32 to vector<16xi32>
          %lt3A_245 = arith.cmpi slt, %sub3A_239, %lt3A_244 : vector<16xi32>
          %and3A_246 = arith.andi %ge3A_242, %lt3A_245 : vector<16xi1>
          tpu.vector_store_idx %arg6[%sub3A_239, %add3A_232], %broadcast_in_dim3A_175 masked %and3A_246 : memref<40x1024xf32, #tpu.memory_space<vmem>>[vector<16xi32>, vector<16xi32>], vector<16xf32>, vector<16xi1>
          %mul3A_247 = arith.constant 8 : i32
          %mul3A_248 = arith.muli %scan3A_181, %mul3A_247 : i32
          %add3A_249 = arith.constant 3 : i32
          %add3A_250 = arith.addi %mul3A_248, %add3A_249 : i32
          %mul3A_251 = arith.constant 16 : i32
          %mul3A_252 = arith.muli %add3A_250, %mul3A_251 : i32
          %add3A_253 = vector.broadcast %mul3A_252 : i32 to vector<16xi32>
          %add3A_254 = arith.addi %add3A_253, %iota3A : vector<16xi32>
          %mul3A_255 = arith.constant 1024 : i32
          %mul3A_256 = arith.muli %select_n3A_156, %mul3A_255 : i32
          %add3A_257 = vector.broadcast %mul3A_256 : i32 to vector<16xi32>
          %add3A_258 = arith.addi %add3A_257, %add3A_254 : vector<16xi32>
          %gather3A_259 = tpu.vector_load_idx %arg5[%add3A_258] : memref<20480xi32, #tpu.memory_space<vmem>>[vector<16xi32>], vector<16xi32>,
          %sub3A_260 = vector.broadcast %mul3A_174 : i32 to vector<16xi32>
          %sub3A_261 = arith.subi %gather3A_259, %sub3A_260 : vector<16xi32>
          %ge3A_262 = arith.constant 0 : i32
          %ge3A_263 = vector.broadcast %ge3A_262 : i32 to vector<16xi32>
          %ge3A_264 = arith.cmpi sge, %sub3A_261, %ge3A_263 : vector<16xi32>
          %lt3A_265 = arith.constant 40 : i32
          %lt3A_266 = vector.broadcast %lt3A_265 : i32 to vector<16xi32>
          %lt3A_267 = arith.cmpi slt, %sub3A_261, %lt3A_266 : vector<16xi32>
          %and3A_268 = arith.andi %ge3A_264, %lt3A_267 : vector<16xi1>
          tpu.vector_store_idx %arg6[%sub3A_261, %add3A_254], %broadcast_in_dim3A_175 masked %and3A_268 : memref<40x1024xf32, #tpu.memory_space<vmem>>[vector<16xi32>, vector<16xi32>], vector<16xf32>, vector<16xi1>
          %mul3A_269 = arith.constant 8 : i32
          %mul3A_270 = arith.muli %scan3A_181, %mul3A_269 : i32
          %add3A_271 = arith.constant 4 : i32
          %add3A_272 = arith.addi %mul3A_270, %add3A_271 : i32
          %mul3A_273 = arith.constant 16 : i32
          %mul3A_274 = arith.muli %add3A_272, %mul3A_273 : i32
          %add3A_275 = vector.broadcast %mul3A_274 : i32 to vector<16xi32>
          %add3A_276 = arith.addi %add3A_275, %iota3A : vector<16xi32>
          %mul3A_277 = arith.constant 1024 : i32
          %mul3A_278 = arith.muli %select_n3A_156, %mul3A_277 : i32
          %add3A_279 = vector.broadcast %mul3A_278 : i32 to vector<16xi32>
          %add3A_280 = arith.addi %add3A_279, %add3A_276 : vector<16xi32>
          %gather3A_281 = tpu.vector_load_idx %arg5[%add3A_280] : memref<20480xi32, #tpu.memory_space<vmem>>[vector<16xi32>], vector<16xi32>,
          %sub3A_282 = vector.broadcast %mul3A_174 : i32 to vector<16xi32>
          %sub3A_283 = arith.subi %gather3A_281, %sub3A_282 : vector<16xi32>
          %ge3A_284 = arith.constant 0 : i32
          %ge3A_285 = vector.broadcast %ge3A_284 : i32 to vector<16xi32>
          %ge3A_286 = arith.cmpi sge, %sub3A_283, %ge3A_285 : vector<16xi32>
          %lt3A_287 = arith.constant 40 : i32
          %lt3A_288 = vector.broadcast %lt3A_287 : i32 to vector<16xi32>
          %lt3A_289 = arith.cmpi slt, %sub3A_283, %lt3A_288 : vector<16xi32>
          %and3A_290 = arith.andi %ge3A_286, %lt3A_289 : vector<16xi1>
          tpu.vector_store_idx %arg6[%sub3A_283, %add3A_276], %broadcast_in_dim3A_175 masked %and3A_290 : memref<40x1024xf32, #tpu.memory_space<vmem>>[vector<16xi32>, vector<16xi32>], vector<16xf32>, vector<16xi1>
          %mul3A_291 = arith.constant 8 : i32
          %mul3A_292 = arith.muli %scan3A_181, %mul3A_291 : i32
          %add3A_293 = arith.constant 5 : i32
          %add3A_294 = arith.addi %mul3A_292, %add3A_293 : i32
          %mul3A_295 = arith.constant 16 : i32
          %mul3A_296 = arith.muli %add3A_294, %mul3A_295 : i32
          %add3A_297 = vector.broadcast %mul3A_296 : i32 to vector<16xi32>
          %add3A_298 = arith.addi %add3A_297, %iota3A : vector<16xi32>
          %mul3A_299 = arith.constant 1024 : i32
          %mul3A_300 = arith.muli %select_n3A_156, %mul3A_299 : i32
          %add3A_301 = vector.broadcast %mul3A_300 : i32 to vector<16xi32>
          %add3A_302 = arith.addi %add3A_301, %add3A_298 : vector<16xi32>
          %gather3A_303 = tpu.vector_load_idx %arg5[%add3A_302] : memref<20480xi32, #tpu.memory_space<vmem>>[vector<16xi32>], vector<16xi32>,
          %sub3A_304 = vector.broadcast %mul3A_174 : i32 to vector<16xi32>
          %sub3A_305 = arith.subi %gather3A_303, %sub3A_304 : vector<16xi32>
          %ge3A_306 = arith.constant 0 : i32
          %ge3A_307 = vector.broadcast %ge3A_306 : i32 to vector<16xi32>
          %ge3A_308 = arith.cmpi sge, %sub3A_305, %ge3A_307 : vector<16xi32>
          %lt3A_309 = arith.constant 40 : i32
          %lt3A_310 = vector.broadcast %lt3A_309 : i32 to vector<16xi32>
          %lt3A_311 = arith.cmpi slt, %sub3A_305, %lt3A_310 : vector<16xi32>
          %and3A_312 = arith.andi %ge3A_308, %lt3A_311 : vector<16xi1>
          tpu.vector_store_idx %arg6[%sub3A_305, %add3A_298], %broadcast_in_dim3A_175 masked %and3A_312 : memref<40x1024xf32, #tpu.memory_space<vmem>>[vector<16xi32>, vector<16xi32>], vector<16xf32>, vector<16xi1>
          %mul3A_313 = arith.constant 8 : i32
          %mul3A_314 = arith.muli %scan3A_181, %mul3A_313 : i32
          %add3A_315 = arith.constant 6 : i32
          %add3A_316 = arith.addi %mul3A_314, %add3A_315 : i32
          %mul3A_317 = arith.constant 16 : i32
          %mul3A_318 = arith.muli %add3A_316, %mul3A_317 : i32
          %add3A_319 = vector.broadcast %mul3A_318 : i32 to vector<16xi32>
          %add3A_320 = arith.addi %add3A_319, %iota3A : vector<16xi32>
          %mul3A_321 = arith.constant 1024 : i32
          %mul3A_322 = arith.muli %select_n3A_156, %mul3A_321 : i32
          %add3A_323 = vector.broadcast %mul3A_322 : i32 to vector<16xi32>
          %add3A_324 = arith.addi %add3A_323, %add3A_320 : vector<16xi32>
          %gather3A_325 = tpu.vector_load_idx %arg5[%add3A_324] : memref<20480xi32, #tpu.memory_space<vmem>>[vector<16xi32>], vector<16xi32>,
          %sub3A_326 = vector.broadcast %mul3A_174 : i32 to vector<16xi32>
          %sub3A_327 = arith.subi %gather3A_325, %sub3A_326 : vector<16xi32>
          %ge3A_328 = arith.constant 0 : i32
          %ge3A_329 = vector.broadcast %ge3A_328 : i32 to vector<16xi32>
          %ge3A_330 = arith.cmpi sge, %sub3A_327, %ge3A_329 : vector<16xi32>
          %lt3A_331 = arith.constant 40 : i32
          %lt3A_332 = vector.broadcast %lt3A_331 : i32 to vector<16xi32>
          %lt3A_333 = arith.cmpi slt, %sub3A_327, %lt3A_332 : vector<16xi32>
          %and3A_334 = arith.andi %ge3A_330, %lt3A_333 : vector<16xi1>
          tpu.vector_store_idx %arg6[%sub3A_327, %add3A_320], %broadcast_in_dim3A_175 masked %and3A_334 : memref<40x1024xf32, #tpu.memory_space<vmem>>[vector<16xi32>, vector<16xi32>], vector<16xf32>, vector<16xi1>
          %mul3A_335 = arith.constant 8 : i32
          %mul3A_336 = arith.muli %scan3A_181, %mul3A_335 : i32
          %add3A_337 = arith.constant 7 : i32
          %add3A_338 = arith.addi %mul3A_336, %add3A_337 : i32
          %mul3A_339 = arith.constant 16 : i32
          %mul3A_340 = arith.muli %add3A_338, %mul3A_339 : i32
          %add3A_341 = vector.broadcast %mul3A_340 : i32 to vector<16xi32>
          %add3A_342 = arith.addi %add3A_341, %iota3A : vector<16xi32>
          %mul3A_343 = arith.constant 1024 : i32
          %mul3A_344 = arith.muli %select_n3A_156, %mul3A_343 : i32
          %add3A_345 = vector.broadcast %mul3A_344 : i32 to vector<16xi32>
          %add3A_346 = arith.addi %add3A_345, %add3A_342 : vector<16xi32>
          %gather3A_347 = tpu.vector_load_idx %arg5[%add3A_346] : memref<20480xi32, #tpu.memory_space<vmem>>[vector<16xi32>], vector<16xi32>,
          %sub3A_348 = vector.broadcast %mul3A_174 : i32 to vector<16xi32>
          %sub3A_349 = arith.subi %gather3A_347, %sub3A_348 : vector<16xi32>
          %ge3A_350 = arith.constant 0 : i32
          %ge3A_351 = vector.broadcast %ge3A_350 : i32 to vector<16xi32>
          %ge3A_352 = arith.cmpi sge, %sub3A_349, %ge3A_351 : vector<16xi32>
          %lt3A_353 = arith.constant 40 : i32
          %lt3A_354 = vector.broadcast %lt3A_353 : i32 to vector<16xi32>
          %lt3A_355 = arith.cmpi slt, %sub3A_349, %lt3A_354 : vector<16xi32>
          %and3A_356 = arith.andi %ge3A_352, %lt3A_355 : vector<16xi1>
          tpu.vector_store_idx %arg6[%sub3A_349, %add3A_342], %broadcast_in_dim3A_175 masked %and3A_356 : memref<40x1024xf32, #tpu.memory_space<vmem>>[vector<16xi32>, vector<16xi32>], vector<16xf32>, vector<16xi1>
        }
        %scan3A_180 = arith.constant 8 : i32
      } else {
      }
      %lt3A_61 = arith.constant 500 : i32
      %lt3A_62 = arith.cmpi slt, %add3A_56, %lt3A_61 : i32
      %convert_element_type3A_63 = arith.extui %lt3A_62 : i1 to i32
      %cond3A_64 = arith.constant 0 : i32
      %cond3A_65 = arith.cmpi ne, %convert_element_type3A_63, %cond3A_64 : i32
      scf.if %cond3A_65 {
        %jit3A_83 = arith.constant 25 : i32
        %div3A_84 = arith.divsi %add3A_56, %jit3A_83 : i32
        %sign3A_85 = arith.constant 0 : i32
        %sign3A_86 = arith.cmpi sgt, %add3A_56, %sign3A_85 : i32
        %sign3A_87 = arith.extui %sign3A_86 : i1 to i32
        %sign3A_88 = arith.constant 0 : i32
        %sign3A_89 = arith.cmpi slt, %add3A_56, %sign3A_88 : i32
        %sign3A_90 = arith.extui %sign3A_89 : i1 to i32
        %sign3A_91 = arith.subi %sign3A_87, %sign3A_90 : i32
        %sign3A_92 = arith.constant 0 : i32
        %sign3A_93 = arith.cmpi sgt, %jit3A_83, %sign3A_92 : i32
        %sign3A_94 = arith.extui %sign3A_93 : i1 to i32
        %sign3A_95 = arith.constant 0 : i32
        %sign3A_96 = arith.cmpi slt, %jit3A_83, %sign3A_95 : i32
        %sign3A_97 = arith.extui %sign3A_96 : i1 to i32
        %sign3A_98 = arith.subi %sign3A_94, %sign3A_97 : i32
        %ne3A_99 = arith.cmpi ne, %sign3A_91, %sign3A_98 : i32
        %rem3A_100 = arith.remsi %add3A_56, %jit3A_83 : i32
        %ne3A_101 = arith.constant 0 : i32
        %ne3A_102 = arith.cmpi ne, %rem3A_100, %ne3A_101 : i32
        %and3A_103 = arith.andi %ne3A_99, %ne3A_102 : i1
        %sub3A_104 = arith.constant 1 : i32
        %sub3A_105 = arith.subi %div3A_84, %sub3A_104 : i32
        %select_n3A_106 = arith.select %and3A_103, %sub3A_105, %div3A_84 : i32
        %jit3A_107 = arith.constant 25 : i32
        %eq3A_108 = arith.constant 0 : i32
        %eq3A_109 = arith.cmpi eq, %jit3A_107, %eq3A_108 : i32
        %jit3A_110 = arith.constant 1 : i32
        %select_n3A_111 = arith.select %eq3A_109, %jit3A_110, %jit3A_107 : i32
        %rem3A_112 = arith.remsi %add3A_56, %select_n3A_111 : i32
        %ne3A_113 = arith.constant 0 : i32
        %ne3A_114 = arith.cmpi ne, %rem3A_112, %ne3A_113 : i32
        %lt3A_115 = arith.constant 0 : i32
        %lt3A_116 = arith.cmpi slt, %rem3A_112, %lt3A_115 : i32
        %lt3A_117 = arith.constant 0 : i32
        %lt3A_118 = arith.cmpi slt, %select_n3A_111, %lt3A_117 : i32
        %ne3A_119 = arith.xori %lt3A_116, %lt3A_118 : i1
        %and3A_120 = arith.andi %ne3A_119, %ne3A_114 : i1
        %add3A_121 = arith.addi %rem3A_112, %select_n3A_111 : i32
        %select_n3A_122 = arith.select %and3A_120, %add3A_121, %rem3A_112 : i32
        %mul3A_123 = arith.constant 40 : i32
        %mul3A_124 = arith.muli %select_n3A_122, %mul3A_123 : i32
        %iota3A = tpu.iota {dimensions = array<i32: 0>} : vector<16xi32>
        %broadcast_in_dim3A = arith.constant 1.000000e+00 : f32
        %broadcast_in_dim3A_125 = vector.broadcast %broadcast_in_dim3A : f32 to vector<16xf32>
        %scan3A_126 = arith.constant 0 : i32
        %scan3A_127 = arith.constant 8 : i32
        %scan3A_128 = arith.addi %scan3A_126, %scan3A_127 : i32
        %scan3A_129 = arith.constant 1 : i32
        scf.for %scan3A_178 = %scan3A_126 to %scan3A_128 step %scan3A_129  : i32 {
          %mul3A_179 = arith.constant 8 : i32
          %mul3A_180 = arith.muli %scan3A_178, %mul3A_179 : i32
          %add3A_181 = arith.constant 0 : i32
          %add3A_182 = arith.addi %mul3A_180, %add3A_181 : i32
          %mul3A_183 = arith.constant 16 : i32
          %mul3A_184 = arith.muli %add3A_182, %mul3A_183 : i32
          %add3A_185 = vector.broadcast %mul3A_184 : i32 to vector<16xi32>
          %add3A_186 = arith.addi %add3A_185, %iota3A : vector<16xi32>
          %mul3A_187 = arith.constant 1024 : i32
          %mul3A_188 = arith.muli %select_n3A_106, %mul3A_187 : i32
          %add3A_189 = vector.broadcast %mul3A_188 : i32 to vector<16xi32>
          %add3A_190 = arith.addi %add3A_189, %add3A_186 : vector<16xi32>
          %gather3A = tpu.vector_load_idx %arg5[%add3A_190] : memref<20480xi32, #tpu.memory_space<vmem>>[vector<16xi32>], vector<16xi32>,
          %sub3A_191 = vector.broadcast %mul3A_124 : i32 to vector<16xi32>
          %sub3A_192 = arith.subi %gather3A, %sub3A_191 : vector<16xi32>
          %ge3A_193 = arith.constant 0 : i32
          %ge3A_194 = vector.broadcast %ge3A_193 : i32 to vector<16xi32>
          %ge3A_195 = arith.cmpi sge, %sub3A_192, %ge3A_194 : vector<16xi32>
          %lt3A_196 = arith.constant 40 : i32
          %lt3A_197 = vector.broadcast %lt3A_196 : i32 to vector<16xi32>
          %lt3A_198 = arith.cmpi slt, %sub3A_192, %lt3A_197 : vector<16xi32>
          %and3A_199 = arith.andi %ge3A_195, %lt3A_198 : vector<16xi1>
          tpu.vector_store_idx %arg6[%sub3A_192, %add3A_186], %broadcast_in_dim3A_125 masked %and3A_199 : memref<40x1024xf32, #tpu.memory_space<vmem>>[vector<16xi32>, vector<16xi32>], vector<16xf32>, vector<16xi1>
          %mul3A_200 = arith.constant 8 : i32
          %mul3A_201 = arith.muli %scan3A_178, %mul3A_200 : i32
          %add3A_202 = arith.constant 1 : i32
          %add3A_203 = arith.addi %mul3A_201, %add3A_202 : i32
          %mul3A_204 = arith.constant 16 : i32
          %mul3A_205 = arith.muli %add3A_203, %mul3A_204 : i32
          %add3A_206 = vector.broadcast %mul3A_205 : i32 to vector<16xi32>
          %add3A_207 = arith.addi %add3A_206, %iota3A : vector<16xi32>
          %mul3A_208 = arith.constant 1024 : i32
          %mul3A_209 = arith.muli %select_n3A_106, %mul3A_208 : i32
          %add3A_210 = vector.broadcast %mul3A_209 : i32 to vector<16xi32>
          %add3A_211 = arith.addi %add3A_210, %add3A_207 : vector<16xi32>
          %gather3A_212 = tpu.vector_load_idx %arg5[%add3A_211] : memref<20480xi32, #tpu.memory_space<vmem>>[vector<16xi32>], vector<16xi32>,
          %sub3A_213 = vector.broadcast %mul3A_124 : i32 to vector<16xi32>
          %sub3A_214 = arith.subi %gather3A_212, %sub3A_213 : vector<16xi32>
          %ge3A_215 = arith.constant 0 : i32
          %ge3A_216 = vector.broadcast %ge3A_215 : i32 to vector<16xi32>
          %ge3A_217 = arith.cmpi sge, %sub3A_214, %ge3A_216 : vector<16xi32>
          %lt3A_218 = arith.constant 40 : i32
          %lt3A_219 = vector.broadcast %lt3A_218 : i32 to vector<16xi32>
          %lt3A_220 = arith.cmpi slt, %sub3A_214, %lt3A_219 : vector<16xi32>
          %and3A_221 = arith.andi %ge3A_217, %lt3A_220 : vector<16xi1>
          tpu.vector_store_idx %arg6[%sub3A_214, %add3A_207], %broadcast_in_dim3A_125 masked %and3A_221 : memref<40x1024xf32, #tpu.memory_space<vmem>>[vector<16xi32>, vector<16xi32>], vector<16xf32>, vector<16xi1>
          %mul3A_222 = arith.constant 8 : i32
          %mul3A_223 = arith.muli %scan3A_178, %mul3A_222 : i32
          %add3A_224 = arith.constant 2 : i32
          %add3A_225 = arith.addi %mul3A_223, %add3A_224 : i32
          %mul3A_226 = arith.constant 16 : i32
          %mul3A_227 = arith.muli %add3A_225, %mul3A_226 : i32
          %add3A_228 = vector.broadcast %mul3A_227 : i32 to vector<16xi32>
          %add3A_229 = arith.addi %add3A_228, %iota3A : vector<16xi32>
          %mul3A_230 = arith.constant 1024 : i32
          %mul3A_231 = arith.muli %select_n3A_106, %mul3A_230 : i32
          %add3A_232 = vector.broadcast %mul3A_231 : i32 to vector<16xi32>
          %add3A_233 = arith.addi %add3A_232, %add3A_229 : vector<16xi32>
          %gather3A_234 = tpu.vector_load_idx %arg5[%add3A_233] : memref<20480xi32, #tpu.memory_space<vmem>>[vector<16xi32>], vector<16xi32>,
          %sub3A_235 = vector.broadcast %mul3A_124 : i32 to vector<16xi32>
          %sub3A_236 = arith.subi %gather3A_234, %sub3A_235 : vector<16xi32>
          %ge3A_237 = arith.constant 0 : i32
          %ge3A_238 = vector.broadcast %ge3A_237 : i32 to vector<16xi32>
          %ge3A_239 = arith.cmpi sge, %sub3A_236, %ge3A_238 : vector<16xi32>
          %lt3A_240 = arith.constant 40 : i32
          %lt3A_241 = vector.broadcast %lt3A_240 : i32 to vector<16xi32>
          %lt3A_242 = arith.cmpi slt, %sub3A_236, %lt3A_241 : vector<16xi32>
          %and3A_243 = arith.andi %ge3A_239, %lt3A_242 : vector<16xi1>
          tpu.vector_store_idx %arg6[%sub3A_236, %add3A_229], %broadcast_in_dim3A_125 masked %and3A_243 : memref<40x1024xf32, #tpu.memory_space<vmem>>[vector<16xi32>, vector<16xi32>], vector<16xf32>, vector<16xi1>
          %mul3A_244 = arith.constant 8 : i32
          %mul3A_245 = arith.muli %scan3A_178, %mul3A_244 : i32
          %add3A_246 = arith.constant 3 : i32
          %add3A_247 = arith.addi %mul3A_245, %add3A_246 : i32
          %mul3A_248 = arith.constant 16 : i32
          %mul3A_249 = arith.muli %add3A_247, %mul3A_248 : i32
          %add3A_250 = vector.broadcast %mul3A_249 : i32 to vector<16xi32>
          %add3A_251 = arith.addi %add3A_250, %iota3A : vector<16xi32>
          %mul3A_252 = arith.constant 1024 : i32
          %mul3A_253 = arith.muli %select_n3A_106, %mul3A_252 : i32
          %add3A_254 = vector.broadcast %mul3A_253 : i32 to vector<16xi32>
          %add3A_255 = arith.addi %add3A_254, %add3A_251 : vector<16xi32>
          %gather3A_256 = tpu.vector_load_idx %arg5[%add3A_255] : memref<20480xi32, #tpu.memory_space<vmem>>[vector<16xi32>], vector<16xi32>,
          %sub3A_257 = vector.broadcast %mul3A_124 : i32 to vector<16xi32>
          %sub3A_258 = arith.subi %gather3A_256, %sub3A_257 : vector<16xi32>
          %ge3A_259 = arith.constant 0 : i32
          %ge3A_260 = vector.broadcast %ge3A_259 : i32 to vector<16xi32>
          %ge3A_261 = arith.cmpi sge, %sub3A_258, %ge3A_260 : vector<16xi32>
          %lt3A_262 = arith.constant 40 : i32
          %lt3A_263 = vector.broadcast %lt3A_262 : i32 to vector<16xi32>
          %lt3A_264 = arith.cmpi slt, %sub3A_258, %lt3A_263 : vector<16xi32>
          %and3A_265 = arith.andi %ge3A_261, %lt3A_264 : vector<16xi1>
          tpu.vector_store_idx %arg6[%sub3A_258, %add3A_251], %broadcast_in_dim3A_125 masked %and3A_265 : memref<40x1024xf32, #tpu.memory_space<vmem>>[vector<16xi32>, vector<16xi32>], vector<16xf32>, vector<16xi1>
          %mul3A_266 = arith.constant 8 : i32
          %mul3A_267 = arith.muli %scan3A_178, %mul3A_266 : i32
          %add3A_268 = arith.constant 4 : i32
          %add3A_269 = arith.addi %mul3A_267, %add3A_268 : i32
          %mul3A_270 = arith.constant 16 : i32
          %mul3A_271 = arith.muli %add3A_269, %mul3A_270 : i32
          %add3A_272 = vector.broadcast %mul3A_271 : i32 to vector<16xi32>
          %add3A_273 = arith.addi %add3A_272, %iota3A : vector<16xi32>
          %mul3A_274 = arith.constant 1024 : i32
          %mul3A_275 = arith.muli %select_n3A_106, %mul3A_274 : i32
          %add3A_276 = vector.broadcast %mul3A_275 : i32 to vector<16xi32>
          %add3A_277 = arith.addi %add3A_276, %add3A_273 : vector<16xi32>
          %gather3A_278 = tpu.vector_load_idx %arg5[%add3A_277] : memref<20480xi32, #tpu.memory_space<vmem>>[vector<16xi32>], vector<16xi32>,
          %sub3A_279 = vector.broadcast %mul3A_124 : i32 to vector<16xi32>
          %sub3A_280 = arith.subi %gather3A_278, %sub3A_279 : vector<16xi32>
          %ge3A_281 = arith.constant 0 : i32
          %ge3A_282 = vector.broadcast %ge3A_281 : i32 to vector<16xi32>
          %ge3A_283 = arith.cmpi sge, %sub3A_280, %ge3A_282 : vector<16xi32>
          %lt3A_284 = arith.constant 40 : i32
          %lt3A_285 = vector.broadcast %lt3A_284 : i32 to vector<16xi32>
          %lt3A_286 = arith.cmpi slt, %sub3A_280, %lt3A_285 : vector<16xi32>
          %and3A_287 = arith.andi %ge3A_283, %lt3A_286 : vector<16xi1>
          tpu.vector_store_idx %arg6[%sub3A_280, %add3A_273], %broadcast_in_dim3A_125 masked %and3A_287 : memref<40x1024xf32, #tpu.memory_space<vmem>>[vector<16xi32>, vector<16xi32>], vector<16xf32>, vector<16xi1>
          %mul3A_288 = arith.constant 8 : i32
          %mul3A_289 = arith.muli %scan3A_178, %mul3A_288 : i32
          %add3A_290 = arith.constant 5 : i32
          %add3A_291 = arith.addi %mul3A_289, %add3A_290 : i32
          %mul3A_292 = arith.constant 16 : i32
          %mul3A_293 = arith.muli %add3A_291, %mul3A_292 : i32
          %add3A_294 = vector.broadcast %mul3A_293 : i32 to vector<16xi32>
          %add3A_295 = arith.addi %add3A_294, %iota3A : vector<16xi32>
          %mul3A_296 = arith.constant 1024 : i32
          %mul3A_297 = arith.muli %select_n3A_106, %mul3A_296 : i32
          %add3A_298 = vector.broadcast %mul3A_297 : i32 to vector<16xi32>
          %add3A_299 = arith.addi %add3A_298, %add3A_295 : vector<16xi32>
          %gather3A_300 = tpu.vector_load_idx %arg5[%add3A_299] : memref<20480xi32, #tpu.memory_space<vmem>>[vector<16xi32>], vector<16xi32>,
          %sub3A_301 = vector.broadcast %mul3A_124 : i32 to vector<16xi32>
          %sub3A_302 = arith.subi %gather3A_300, %sub3A_301 : vector<16xi32>
          %ge3A_303 = arith.constant 0 : i32
          %ge3A_304 = vector.broadcast %ge3A_303 : i32 to vector<16xi32>
          %ge3A_305 = arith.cmpi sge, %sub3A_302, %ge3A_304 : vector<16xi32>
          %lt3A_306 = arith.constant 40 : i32
          %lt3A_307 = vector.broadcast %lt3A_306 : i32 to vector<16xi32>
          %lt3A_308 = arith.cmpi slt, %sub3A_302, %lt3A_307 : vector<16xi32>
          %and3A_309 = arith.andi %ge3A_305, %lt3A_308 : vector<16xi1>
          tpu.vector_store_idx %arg6[%sub3A_302, %add3A_295], %broadcast_in_dim3A_125 masked %and3A_309 : memref<40x1024xf32, #tpu.memory_space<vmem>>[vector<16xi32>, vector<16xi32>], vector<16xf32>, vector<16xi1>
          %mul3A_310 = arith.constant 8 : i32
          %mul3A_311 = arith.muli %scan3A_178, %mul3A_310 : i32
          %add3A_312 = arith.constant 6 : i32
          %add3A_313 = arith.addi %mul3A_311, %add3A_312 : i32
          %mul3A_314 = arith.constant 16 : i32
          %mul3A_315 = arith.muli %add3A_313, %mul3A_314 : i32
          %add3A_316 = vector.broadcast %mul3A_315 : i32 to vector<16xi32>
          %add3A_317 = arith.addi %add3A_316, %iota3A : vector<16xi32>
          %mul3A_318 = arith.constant 1024 : i32
          %mul3A_319 = arith.muli %select_n3A_106, %mul3A_318 : i32
          %add3A_320 = vector.broadcast %mul3A_319 : i32 to vector<16xi32>
          %add3A_321 = arith.addi %add3A_320, %add3A_317 : vector<16xi32>
          %gather3A_322 = tpu.vector_load_idx %arg5[%add3A_321] : memref<20480xi32, #tpu.memory_space<vmem>>[vector<16xi32>], vector<16xi32>,
          %sub3A_323 = vector.broadcast %mul3A_124 : i32 to vector<16xi32>
          %sub3A_324 = arith.subi %gather3A_322, %sub3A_323 : vector<16xi32>
          %ge3A_325 = arith.constant 0 : i32
          %ge3A_326 = vector.broadcast %ge3A_325 : i32 to vector<16xi32>
          %ge3A_327 = arith.cmpi sge, %sub3A_324, %ge3A_326 : vector<16xi32>
          %lt3A_328 = arith.constant 40 : i32
          %lt3A_329 = vector.broadcast %lt3A_328 : i32 to vector<16xi32>
          %lt3A_330 = arith.cmpi slt, %sub3A_324, %lt3A_329 : vector<16xi32>
          %and3A_331 = arith.andi %ge3A_327, %lt3A_330 : vector<16xi1>
          tpu.vector_store_idx %arg6[%sub3A_324, %add3A_317], %broadcast_in_dim3A_125 masked %and3A_331 : memref<40x1024xf32, #tpu.memory_space<vmem>>[vector<16xi32>, vector<16xi32>], vector<16xf32>, vector<16xi1>
          %mul3A_332 = arith.constant 8 : i32
          %mul3A_333 = arith.muli %scan3A_178, %mul3A_332 : i32
          %add3A_334 = arith.constant 7 : i32
          %add3A_335 = arith.addi %mul3A_333, %add3A_334 : i32
          %mul3A_336 = arith.constant 16 : i32
          %mul3A_337 = arith.muli %add3A_335, %mul3A_336 : i32
          %add3A_338 = vector.broadcast %mul3A_337 : i32 to vector<16xi32>
          %add3A_339 = arith.addi %add3A_338, %iota3A : vector<16xi32>
          %mul3A_340 = arith.constant 1024 : i32
          %mul3A_341 = arith.muli %select_n3A_106, %mul3A_340 : i32
          %add3A_342 = vector.broadcast %mul3A_341 : i32 to vector<16xi32>
          %add3A_343 = arith.addi %add3A_342, %add3A_339 : vector<16xi32>
          %gather3A_344 = tpu.vector_load_idx %arg5[%add3A_343] : memref<20480xi32, #tpu.memory_space<vmem>>[vector<16xi32>], vector<16xi32>,
          %sub3A_345 = vector.broadcast %mul3A_124 : i32 to vector<16xi32>
          %sub3A_346 = arith.subi %gather3A_344, %sub3A_345 : vector<16xi32>
          %ge3A_347 = arith.constant 0 : i32
          %ge3A_348 = vector.broadcast %ge3A_347 : i32 to vector<16xi32>
          %ge3A_349 = arith.cmpi sge, %sub3A_346, %ge3A_348 : vector<16xi32>
          %lt3A_350 = arith.constant 40 : i32
          %lt3A_351 = vector.broadcast %lt3A_350 : i32 to vector<16xi32>
          %lt3A_352 = arith.cmpi slt, %sub3A_346, %lt3A_351 : vector<16xi32>
          %and3A_353 = arith.andi %ge3A_349, %lt3A_352 : vector<16xi1>
          tpu.vector_store_idx %arg6[%sub3A_346, %add3A_339], %broadcast_in_dim3A_125 masked %and3A_353 : memref<40x1024xf32, #tpu.memory_space<vmem>>[vector<16xi32>, vector<16xi32>], vector<16xf32>, vector<16xi1>
        }
        %scan3A_130 = arith.constant 8 : i32
        %jit3A_131 = arith.constant 25 : i32
        %div3A_132 = arith.divsi %add3A_56, %jit3A_131 : i32
        %sign3A_133 = arith.constant 0 : i32
        %sign3A_134 = arith.cmpi sgt, %add3A_56, %sign3A_133 : i32
        %sign3A_135 = arith.extui %sign3A_134 : i1 to i32
        %sign3A_136 = arith.constant 0 : i32
        %sign3A_137 = arith.cmpi slt, %add3A_56, %sign3A_136 : i32
        %sign3A_138 = arith.extui %sign3A_137 : i1 to i32
        %sign3A_139 = arith.subi %sign3A_135, %sign3A_138 : i32
        %sign3A_140 = arith.constant 0 : i32
        %sign3A_141 = arith.cmpi sgt, %jit3A_131, %sign3A_140 : i32
        %sign3A_142 = arith.extui %sign3A_141 : i1 to i32
        %sign3A_143 = arith.constant 0 : i32
        %sign3A_144 = arith.cmpi slt, %jit3A_131, %sign3A_143 : i32
        %sign3A_145 = arith.extui %sign3A_144 : i1 to i32
        %sign3A_146 = arith.subi %sign3A_142, %sign3A_145 : i32
        %ne3A_147 = arith.cmpi ne, %sign3A_139, %sign3A_146 : i32
        %rem3A_148 = arith.remsi %add3A_56, %jit3A_131 : i32
        %ne3A_149 = arith.constant 0 : i32
        %ne3A_150 = arith.cmpi ne, %rem3A_148, %ne3A_149 : i32
        %and3A_151 = arith.andi %ne3A_147, %ne3A_150 : i1
        %sub3A_152 = arith.constant 1 : i32
        %sub3A_153 = arith.subi %div3A_132, %sub3A_152 : i32
        %select_n3A_154 = arith.select %and3A_151, %sub3A_153, %div3A_132 : i32
        %jit3A_155 = arith.constant 25 : i32
        %eq3A_156 = arith.constant 0 : i32
        %eq3A_157 = arith.cmpi eq, %jit3A_155, %eq3A_156 : i32
        %jit3A_158 = arith.constant 1 : i32
        %select_n3A_159 = arith.select %eq3A_157, %jit3A_158, %jit3A_155 : i32
        %rem3A_160 = arith.remsi %add3A_56, %select_n3A_159 : i32
        %ne3A_161 = arith.constant 0 : i32
        %ne3A_162 = arith.cmpi ne, %rem3A_160, %ne3A_161 : i32
        %lt3A_163 = arith.constant 0 : i32
        %lt3A_164 = arith.cmpi slt, %rem3A_160, %lt3A_163 : i32
        %lt3A_165 = arith.constant 0 : i32
        %lt3A_166 = arith.cmpi slt, %select_n3A_159, %lt3A_165 : i32
        %ne3A_167 = arith.xori %lt3A_164, %lt3A_166 : i1
        %and3A_168 = arith.andi %ne3A_167, %ne3A_162 : i1
        %add3A_169 = arith.addi %rem3A_160, %select_n3A_159 : i32
        %select_n3A_170 = arith.select %and3A_168, %add3A_169, %rem3A_160 : i32
        %mul3A_171 = arith.constant 40 : i32
        %mul3A_172 = arith.muli %select_n3A_170, %mul3A_171 : i32
        %dma_start3A = arith.constant 0 : i32
        %dma_start3A_173 = tpu.memref_slice %arg4[%select_n3A_154, %mul3A_172, %dma_start3A] : memref<20x1000x1024xf32, #tpu.memory_space<hbm>> -> memref<1x40x1024xf32, #tpu.memory_space<hbm>>
        %dma_start3A_174 = tpu.memref_squeeze %dma_start3A_173 : memref<1x40x1024xf32, #tpu.memory_space<hbm>> -> memref<40x1024xf32, #tpu.memory_space<hbm>>
        %dma_start3A_175 = arith.constant 0 : i32
        %dma_start3A_176 = tpu.memref_slice %arg4[%select_n3A_154, %mul3A_172, %dma_start3A_175] : memref<20x1000x1024xf32, #tpu.memory_space<hbm>> -> memref<1x40x1024xf32, #tpu.memory_space<hbm>>
        %dma_start3A_177 = tpu.memref_squeeze %dma_start3A_176 : memref<1x40x1024xf32, #tpu.memory_space<hbm>> -> memref<40x1024xf32, #tpu.memory_space<hbm>>
        tpu.enqueue_dma source(%arg6 : memref<40x1024xf32, #tpu.memory_space<vmem>>) target(%dma_start3A_177 : memref<40x1024xf32, #tpu.memory_space<hbm>>) target_semaphore(%arg8 : memref<!tpu.dma_semaphore, #tpu.memory_space<semaphore_mem>>)
      } else {
      }
      %mul3A_66 = arith.constant 2 : i32
      %mul3A_67 = arith.muli %mul3A_66, %scan3A_49 : i32
      %add3A_68 = arith.constant 1 : i32
      %add3A_69 = arith.addi %mul3A_67, %add3A_68 : i32
      %mul3A_70 = arith.constant 32 : i32
      %mul3A_71 = arith.muli %add3A_69, %mul3A_70 : i32
      %add3A_72 = arith.addi %add3A, %mul3A_71 : i32
      %ge3A_73 = arith.constant 2 : i32
      %ge3A_74 = arith.cmpi sge, %add3A_69, %ge3A_73 : i32
      %convert_element_type3A_75 = arith.extui %ge3A_74 : i1 to i32
      %cond3A_76 = arith.constant 0 : i32
      %cond3A_77 = arith.cmpi ne, %convert_element_type3A_75, %cond3A_76 : i32
      scf.if %cond3A_77 {
        %sub3A_83 = arith.constant 64 : i32
        %sub3A_84 = arith.subi %add3A_72, %sub3A_83 : i32
        %jit3A_85 = arith.constant 25 : i32
        %div3A_86 = arith.divsi %sub3A_84, %jit3A_85 : i32
        %sign3A_87 = arith.constant 0 : i32
        %sign3A_88 = arith.cmpi sgt, %sub3A_84, %sign3A_87 : i32
        %sign3A_89 = arith.extui %sign3A_88 : i1 to i32
        %sign3A_90 = arith.constant 0 : i32
        %sign3A_91 = arith.cmpi slt, %sub3A_84, %sign3A_90 : i32
        %sign3A_92 = arith.extui %sign3A_91 : i1 to i32
        %sign3A_93 = arith.subi %sign3A_89, %sign3A_92 : i32
        %sign3A_94 = arith.constant 0 : i32
        %sign3A_95 = arith.cmpi sgt, %jit3A_85, %sign3A_94 : i32
        %sign3A_96 = arith.extui %sign3A_95 : i1 to i32
        %sign3A_97 = arith.constant 0 : i32
        %sign3A_98 = arith.cmpi slt, %jit3A_85, %sign3A_97 : i32
        %sign3A_99 = arith.extui %sign3A_98 : i1 to i32
        %sign3A_100 = arith.subi %sign3A_96, %sign3A_99 : i32
        %ne3A_101 = arith.cmpi ne, %sign3A_93, %sign3A_100 : i32
        %rem3A_102 = arith.remsi %sub3A_84, %jit3A_85 : i32
        %ne3A_103 = arith.constant 0 : i32
        %ne3A_104 = arith.cmpi ne, %rem3A_102, %ne3A_103 : i32
        %and3A_105 = arith.andi %ne3A_101, %ne3A_104 : i1
        %sub3A_106 = arith.constant 1 : i32
        %sub3A_107 = arith.subi %div3A_86, %sub3A_106 : i32
        %select_n3A_108 = arith.select %and3A_105, %sub3A_107, %div3A_86 : i32
        %jit3A_109 = arith.constant 25 : i32
        %eq3A_110 = arith.constant 0 : i32
        %eq3A_111 = arith.cmpi eq, %jit3A_109, %eq3A_110 : i32
        %jit3A_112 = arith.constant 1 : i32
        %select_n3A_113 = arith.select %eq3A_111, %jit3A_112, %jit3A_109 : i32
        %rem3A_114 = arith.remsi %sub3A_84, %select_n3A_113 : i32
        %ne3A_115 = arith.constant 0 : i32
        %ne3A_116 = arith.cmpi ne, %rem3A_114, %ne3A_115 : i32
        %lt3A_117 = arith.constant 0 : i32
        %lt3A_118 = arith.cmpi slt, %rem3A_114, %lt3A_117 : i32
        %lt3A_119 = arith.constant 0 : i32
        %lt3A_120 = arith.cmpi slt, %select_n3A_113, %lt3A_119 : i32
        %ne3A_121 = arith.xori %lt3A_118, %lt3A_120 : i1
        %and3A_122 = arith.andi %ne3A_121, %ne3A_116 : i1
        %add3A_123 = arith.addi %rem3A_114, %select_n3A_113 : i32
        %select_n3A_124 = arith.select %and3A_122, %add3A_123, %rem3A_114 : i32
        %mul3A_125 = arith.constant 40 : i32
        %mul3A_126 = arith.muli %select_n3A_124, %mul3A_125 : i32
        %dma_wait3A_127 = arith.constant 0 : i32
        %dma_wait3A_128 = tpu.memref_slice %arg4[%select_n3A_108, %mul3A_126, %dma_wait3A_127] : memref<20x1000x1024xf32, #tpu.memory_space<hbm>> -> memref<1x40x1024xf32, #tpu.memory_space<hbm>>
        %dma_wait3A_129 = tpu.memref_squeeze %dma_wait3A_128 : memref<1x40x1024xf32, #tpu.memory_space<hbm>> -> memref<40x1024xf32, #tpu.memory_space<hbm>>
        %dma_wait3A_130 = arith.constant 0 : i32
        %dma_wait3A_131 = tpu.memref_slice %arg4[%select_n3A_108, %mul3A_126, %dma_wait3A_130] : memref<20x1000x1024xf32, #tpu.memory_space<hbm>> -> memref<1x40x1024xf32, #tpu.memory_space<hbm>>
        %dma_wait3A_132 = tpu.memref_squeeze %dma_wait3A_131 : memref<1x40x1024xf32, #tpu.memory_space<hbm>> -> memref<40x1024xf32, #tpu.memory_space<hbm>>
        tpu.wait_dma2 semaphore(%arg9 : memref<!tpu.dma_semaphore, #tpu.memory_space<semaphore_mem>>) src(%arg7 : memref<40x1024xf32, #tpu.memory_space<vmem>>) dst(%dma_wait3A_132 : memref<40x1024xf32, #tpu.memory_space<hbm>>)
        %jit3A_133 = arith.constant 25 : i32
        %div3A_134 = arith.divsi %sub3A_84, %jit3A_133 : i32
        %sign3A_135 = arith.constant 0 : i32
        %sign3A_136 = arith.cmpi sgt, %sub3A_84, %sign3A_135 : i32
        %sign3A_137 = arith.extui %sign3A_136 : i1 to i32
        %sign3A_138 = arith.constant 0 : i32
        %sign3A_139 = arith.cmpi slt, %sub3A_84, %sign3A_138 : i32
        %sign3A_140 = arith.extui %sign3A_139 : i1 to i32
        %sign3A_141 = arith.subi %sign3A_137, %sign3A_140 : i32
        %sign3A_142 = arith.constant 0 : i32
        %sign3A_143 = arith.cmpi sgt, %jit3A_133, %sign3A_142 : i32
        %sign3A_144 = arith.extui %sign3A_143 : i1 to i32
        %sign3A_145 = arith.constant 0 : i32
        %sign3A_146 = arith.cmpi slt, %jit3A_133, %sign3A_145 : i32
        %sign3A_147 = arith.extui %sign3A_146 : i1 to i32
        %sign3A_148 = arith.subi %sign3A_144, %sign3A_147 : i32
        %ne3A_149 = arith.cmpi ne, %sign3A_141, %sign3A_148 : i32
        %rem3A_150 = arith.remsi %sub3A_84, %jit3A_133 : i32
        %ne3A_151 = arith.constant 0 : i32
        %ne3A_152 = arith.cmpi ne, %rem3A_150, %ne3A_151 : i32
        %and3A_153 = arith.andi %ne3A_149, %ne3A_152 : i1
        %sub3A_154 = arith.constant 1 : i32
        %sub3A_155 = arith.subi %div3A_134, %sub3A_154 : i32
        %select_n3A_156 = arith.select %and3A_153, %sub3A_155, %div3A_134 : i32
        %jit3A_157 = arith.constant 25 : i32
        %eq3A_158 = arith.constant 0 : i32
        %eq3A_159 = arith.cmpi eq, %jit3A_157, %eq3A_158 : i32
        %jit3A_160 = arith.constant 1 : i32
        %select_n3A_161 = arith.select %eq3A_159, %jit3A_160, %jit3A_157 : i32
        %rem3A_162 = arith.remsi %sub3A_84, %select_n3A_161 : i32
        %ne3A_163 = arith.constant 0 : i32
        %ne3A_164 = arith.cmpi ne, %rem3A_162, %ne3A_163 : i32
        %lt3A_165 = arith.constant 0 : i32
        %lt3A_166 = arith.cmpi slt, %rem3A_162, %lt3A_165 : i32
        %lt3A_167 = arith.constant 0 : i32
        %lt3A_168 = arith.cmpi slt, %select_n3A_161, %lt3A_167 : i32
        %ne3A_169 = arith.xori %lt3A_166, %lt3A_168 : i1
        %and3A_170 = arith.andi %ne3A_169, %ne3A_164 : i1
        %add3A_171 = arith.addi %rem3A_162, %select_n3A_161 : i32
        %select_n3A_172 = arith.select %and3A_170, %add3A_171, %rem3A_162 : i32
        %mul3A_173 = arith.constant 40 : i32
        %mul3A_174 = arith.muli %select_n3A_172, %mul3A_173 : i32
        %iota3A = tpu.iota {dimensions = array<i32: 0>} : vector<16xi32>
        %broadcast_in_dim3A = arith.constant 0.000000e+00 : f32
        %broadcast_in_dim3A_175 = vector.broadcast %broadcast_in_dim3A : f32 to vector<16xf32>
        %scan3A_176 = arith.constant 0 : i32
        %scan3A_177 = arith.constant 8 : i32
        %scan3A_178 = arith.addi %scan3A_176, %scan3A_177 : i32
        %scan3A_179 = arith.constant 1 : i32
        scf.for %scan3A_181 = %scan3A_176 to %scan3A_178 step %scan3A_179  : i32 {
          %mul3A_182 = arith.constant 8 : i32
          %mul3A_183 = arith.muli %scan3A_181, %mul3A_182 : i32
          %add3A_184 = arith.constant 0 : i32
          %add3A_185 = arith.addi %mul3A_183, %add3A_184 : i32
          %mul3A_186 = arith.constant 16 : i32
          %mul3A_187 = arith.muli %add3A_185, %mul3A_186 : i32
          %add3A_188 = vector.broadcast %mul3A_187 : i32 to vector<16xi32>
          %add3A_189 = arith.addi %add3A_188, %iota3A : vector<16xi32>
          %mul3A_190 = arith.constant 1024 : i32
          %mul3A_191 = arith.muli %select_n3A_156, %mul3A_190 : i32
          %add3A_192 = vector.broadcast %mul3A_191 : i32 to vector<16xi32>
          %add3A_193 = arith.addi %add3A_192, %add3A_189 : vector<16xi32>
          %gather3A = tpu.vector_load_idx %arg5[%add3A_193] : memref<20480xi32, #tpu.memory_space<vmem>>[vector<16xi32>], vector<16xi32>,
          %sub3A_194 = vector.broadcast %mul3A_174 : i32 to vector<16xi32>
          %sub3A_195 = arith.subi %gather3A, %sub3A_194 : vector<16xi32>
          %ge3A_196 = arith.constant 0 : i32
          %ge3A_197 = vector.broadcast %ge3A_196 : i32 to vector<16xi32>
          %ge3A_198 = arith.cmpi sge, %sub3A_195, %ge3A_197 : vector<16xi32>
          %lt3A_199 = arith.constant 40 : i32
          %lt3A_200 = vector.broadcast %lt3A_199 : i32 to vector<16xi32>
          %lt3A_201 = arith.cmpi slt, %sub3A_195, %lt3A_200 : vector<16xi32>
          %and3A_202 = arith.andi %ge3A_198, %lt3A_201 : vector<16xi1>
          tpu.vector_store_idx %arg7[%sub3A_195, %add3A_189], %broadcast_in_dim3A_175 masked %and3A_202 : memref<40x1024xf32, #tpu.memory_space<vmem>>[vector<16xi32>, vector<16xi32>], vector<16xf32>, vector<16xi1>
          %mul3A_203 = arith.constant 8 : i32
          %mul3A_204 = arith.muli %scan3A_181, %mul3A_203 : i32
          %add3A_205 = arith.constant 1 : i32
          %add3A_206 = arith.addi %mul3A_204, %add3A_205 : i32
          %mul3A_207 = arith.constant 16 : i32
          %mul3A_208 = arith.muli %add3A_206, %mul3A_207 : i32
          %add3A_209 = vector.broadcast %mul3A_208 : i32 to vector<16xi32>
          %add3A_210 = arith.addi %add3A_209, %iota3A : vector<16xi32>
          %mul3A_211 = arith.constant 1024 : i32
          %mul3A_212 = arith.muli %select_n3A_156, %mul3A_211 : i32
          %add3A_213 = vector.broadcast %mul3A_212 : i32 to vector<16xi32>
          %add3A_214 = arith.addi %add3A_213, %add3A_210 : vector<16xi32>
          %gather3A_215 = tpu.vector_load_idx %arg5[%add3A_214] : memref<20480xi32, #tpu.memory_space<vmem>>[vector<16xi32>], vector<16xi32>,
          %sub3A_216 = vector.broadcast %mul3A_174 : i32 to vector<16xi32>
          %sub3A_217 = arith.subi %gather3A_215, %sub3A_216 : vector<16xi32>
          %ge3A_218 = arith.constant 0 : i32
          %ge3A_219 = vector.broadcast %ge3A_218 : i32 to vector<16xi32>
          %ge3A_220 = arith.cmpi sge, %sub3A_217, %ge3A_219 : vector<16xi32>
          %lt3A_221 = arith.constant 40 : i32
          %lt3A_222 = vector.broadcast %lt3A_221 : i32 to vector<16xi32>
          %lt3A_223 = arith.cmpi slt, %sub3A_217, %lt3A_222 : vector<16xi32>
          %and3A_224 = arith.andi %ge3A_220, %lt3A_223 : vector<16xi1>
          tpu.vector_store_idx %arg7[%sub3A_217, %add3A_210], %broadcast_in_dim3A_175 masked %and3A_224 : memref<40x1024xf32, #tpu.memory_space<vmem>>[vector<16xi32>, vector<16xi32>], vector<16xf32>, vector<16xi1>
          %mul3A_225 = arith.constant 8 : i32
          %mul3A_226 = arith.muli %scan3A_181, %mul3A_225 : i32
          %add3A_227 = arith.constant 2 : i32
          %add3A_228 = arith.addi %mul3A_226, %add3A_227 : i32
          %mul3A_229 = arith.constant 16 : i32
          %mul3A_230 = arith.muli %add3A_228, %mul3A_229 : i32
          %add3A_231 = vector.broadcast %mul3A_230 : i32 to vector<16xi32>
          %add3A_232 = arith.addi %add3A_231, %iota3A : vector<16xi32>
          %mul3A_233 = arith.constant 1024 : i32
          %mul3A_234 = arith.muli %select_n3A_156, %mul3A_233 : i32
          %add3A_235 = vector.broadcast %mul3A_234 : i32 to vector<16xi32>
          %add3A_236 = arith.addi %add3A_235, %add3A_232 : vector<16xi32>
          %gather3A_237 = tpu.vector_load_idx %arg5[%add3A_236] : memref<20480xi32, #tpu.memory_space<vmem>>[vector<16xi32>], vector<16xi32>,
          %sub3A_238 = vector.broadcast %mul3A_174 : i32 to vector<16xi32>
          %sub3A_239 = arith.subi %gather3A_237, %sub3A_238 : vector<16xi32>
          %ge3A_240 = arith.constant 0 : i32
          %ge3A_241 = vector.broadcast %ge3A_240 : i32 to vector<16xi32>
          %ge3A_242 = arith.cmpi sge, %sub3A_239, %ge3A_241 : vector<16xi32>
          %lt3A_243 = arith.constant 40 : i32
          %lt3A_244 = vector.broadcast %lt3A_243 : i32 to vector<16xi32>
          %lt3A_245 = arith.cmpi slt, %sub3A_239, %lt3A_244 : vector<16xi32>
          %and3A_246 = arith.andi %ge3A_242, %lt3A_245 : vector<16xi1>
          tpu.vector_store_idx %arg7[%sub3A_239, %add3A_232], %broadcast_in_dim3A_175 masked %and3A_246 : memref<40x1024xf32, #tpu.memory_space<vmem>>[vector<16xi32>, vector<16xi32>], vector<16xf32>, vector<16xi1>
          %mul3A_247 = arith.constant 8 : i32
          %mul3A_248 = arith.muli %scan3A_181, %mul3A_247 : i32
          %add3A_249 = arith.constant 3 : i32
          %add3A_250 = arith.addi %mul3A_248, %add3A_249 : i32
          %mul3A_251 = arith.constant 16 : i32
          %mul3A_252 = arith.muli %add3A_250, %mul3A_251 : i32
          %add3A_253 = vector.broadcast %mul3A_252 : i32 to vector<16xi32>
          %add3A_254 = arith.addi %add3A_253, %iota3A : vector<16xi32>
          %mul3A_255 = arith.constant 1024 : i32
          %mul3A_256 = arith.muli %select_n3A_156, %mul3A_255 : i32
          %add3A_257 = vector.broadcast %mul3A_256 : i32 to vector<16xi32>
          %add3A_258 = arith.addi %add3A_257, %add3A_254 : vector<16xi32>
          %gather3A_259 = tpu.vector_load_idx %arg5[%add3A_258] : memref<20480xi32, #tpu.memory_space<vmem>>[vector<16xi32>], vector<16xi32>,
          %sub3A_260 = vector.broadcast %mul3A_174 : i32 to vector<16xi32>
          %sub3A_261 = arith.subi %gather3A_259, %sub3A_260 : vector<16xi32>
          %ge3A_262 = arith.constant 0 : i32
          %ge3A_263 = vector.broadcast %ge3A_262 : i32 to vector<16xi32>
          %ge3A_264 = arith.cmpi sge, %sub3A_261, %ge3A_263 : vector<16xi32>
          %lt3A_265 = arith.constant 40 : i32
          %lt3A_266 = vector.broadcast %lt3A_265 : i32 to vector<16xi32>
          %lt3A_267 = arith.cmpi slt, %sub3A_261, %lt3A_266 : vector<16xi32>
          %and3A_268 = arith.andi %ge3A_264, %lt3A_267 : vector<16xi1>
          tpu.vector_store_idx %arg7[%sub3A_261, %add3A_254], %broadcast_in_dim3A_175 masked %and3A_268 : memref<40x1024xf32, #tpu.memory_space<vmem>>[vector<16xi32>, vector<16xi32>], vector<16xf32>, vector<16xi1>
          %mul3A_269 = arith.constant 8 : i32
          %mul3A_270 = arith.muli %scan3A_181, %mul3A_269 : i32
          %add3A_271 = arith.constant 4 : i32
          %add3A_272 = arith.addi %mul3A_270, %add3A_271 : i32
          %mul3A_273 = arith.constant 16 : i32
          %mul3A_274 = arith.muli %add3A_272, %mul3A_273 : i32
          %add3A_275 = vector.broadcast %mul3A_274 : i32 to vector<16xi32>
          %add3A_276 = arith.addi %add3A_275, %iota3A : vector<16xi32>
          %mul3A_277 = arith.constant 1024 : i32
          %mul3A_278 = arith.muli %select_n3A_156, %mul3A_277 : i32
          %add3A_279 = vector.broadcast %mul3A_278 : i32 to vector<16xi32>
          %add3A_280 = arith.addi %add3A_279, %add3A_276 : vector<16xi32>
          %gather3A_281 = tpu.vector_load_idx %arg5[%add3A_280] : memref<20480xi32, #tpu.memory_space<vmem>>[vector<16xi32>], vector<16xi32>,
          %sub3A_282 = vector.broadcast %mul3A_174 : i32 to vector<16xi32>
          %sub3A_283 = arith.subi %gather3A_281, %sub3A_282 : vector<16xi32>
          %ge3A_284 = arith.constant 0 : i32
          %ge3A_285 = vector.broadcast %ge3A_284 : i32 to vector<16xi32>
          %ge3A_286 = arith.cmpi sge, %sub3A_283, %ge3A_285 : vector<16xi32>
          %lt3A_287 = arith.constant 40 : i32
          %lt3A_288 = vector.broadcast %lt3A_287 : i32 to vector<16xi32>
          %lt3A_289 = arith.cmpi slt, %sub3A_283, %lt3A_288 : vector<16xi32>
          %and3A_290 = arith.andi %ge3A_286, %lt3A_289 : vector<16xi1>
          tpu.vector_store_idx %arg7[%sub3A_283, %add3A_276], %broadcast_in_dim3A_175 masked %and3A_290 : memref<40x1024xf32, #tpu.memory_space<vmem>>[vector<16xi32>, vector<16xi32>], vector<16xf32>, vector<16xi1>
          %mul3A_291 = arith.constant 8 : i32
          %mul3A_292 = arith.muli %scan3A_181, %mul3A_291 : i32
          %add3A_293 = arith.constant 5 : i32
          %add3A_294 = arith.addi %mul3A_292, %add3A_293 : i32
          %mul3A_295 = arith.constant 16 : i32
          %mul3A_296 = arith.muli %add3A_294, %mul3A_295 : i32
          %add3A_297 = vector.broadcast %mul3A_296 : i32 to vector<16xi32>
          %add3A_298 = arith.addi %add3A_297, %iota3A : vector<16xi32>
          %mul3A_299 = arith.constant 1024 : i32
          %mul3A_300 = arith.muli %select_n3A_156, %mul3A_299 : i32
          %add3A_301 = vector.broadcast %mul3A_300 : i32 to vector<16xi32>
          %add3A_302 = arith.addi %add3A_301, %add3A_298 : vector<16xi32>
          %gather3A_303 = tpu.vector_load_idx %arg5[%add3A_302] : memref<20480xi32, #tpu.memory_space<vmem>>[vector<16xi32>], vector<16xi32>,
          %sub3A_304 = vector.broadcast %mul3A_174 : i32 to vector<16xi32>
          %sub3A_305 = arith.subi %gather3A_303, %sub3A_304 : vector<16xi32>
          %ge3A_306 = arith.constant 0 : i32
          %ge3A_307 = vector.broadcast %ge3A_306 : i32 to vector<16xi32>
          %ge3A_308 = arith.cmpi sge, %sub3A_305, %ge3A_307 : vector<16xi32>
          %lt3A_309 = arith.constant 40 : i32
          %lt3A_310 = vector.broadcast %lt3A_309 : i32 to vector<16xi32>
          %lt3A_311 = arith.cmpi slt, %sub3A_305, %lt3A_310 : vector<16xi32>
          %and3A_312 = arith.andi %ge3A_308, %lt3A_311 : vector<16xi1>
          tpu.vector_store_idx %arg7[%sub3A_305, %add3A_298], %broadcast_in_dim3A_175 masked %and3A_312 : memref<40x1024xf32, #tpu.memory_space<vmem>>[vector<16xi32>, vector<16xi32>], vector<16xf32>, vector<16xi1>
          %mul3A_313 = arith.constant 8 : i32
          %mul3A_314 = arith.muli %scan3A_181, %mul3A_313 : i32
          %add3A_315 = arith.constant 6 : i32
          %add3A_316 = arith.addi %mul3A_314, %add3A_315 : i32
          %mul3A_317 = arith.constant 16 : i32
          %mul3A_318 = arith.muli %add3A_316, %mul3A_317 : i32
          %add3A_319 = vector.broadcast %mul3A_318 : i32 to vector<16xi32>
          %add3A_320 = arith.addi %add3A_319, %iota3A : vector<16xi32>
          %mul3A_321 = arith.constant 1024 : i32
          %mul3A_322 = arith.muli %select_n3A_156, %mul3A_321 : i32
          %add3A_323 = vector.broadcast %mul3A_322 : i32 to vector<16xi32>
          %add3A_324 = arith.addi %add3A_323, %add3A_320 : vector<16xi32>
          %gather3A_325 = tpu.vector_load_idx %arg5[%add3A_324] : memref<20480xi32, #tpu.memory_space<vmem>>[vector<16xi32>], vector<16xi32>,
          %sub3A_326 = vector.broadcast %mul3A_174 : i32 to vector<16xi32>
          %sub3A_327 = arith.subi %gather3A_325, %sub3A_326 : vector<16xi32>
          %ge3A_328 = arith.constant 0 : i32
          %ge3A_329 = vector.broadcast %ge3A_328 : i32 to vector<16xi32>
          %ge3A_330 = arith.cmpi sge, %sub3A_327, %ge3A_329 : vector<16xi32>
          %lt3A_331 = arith.constant 40 : i32
          %lt3A_332 = vector.broadcast %lt3A_331 : i32 to vector<16xi32>
          %lt3A_333 = arith.cmpi slt, %sub3A_327, %lt3A_332 : vector<16xi32>
          %and3A_334 = arith.andi %ge3A_330, %lt3A_333 : vector<16xi1>
          tpu.vector_store_idx %arg7[%sub3A_327, %add3A_320], %broadcast_in_dim3A_175 masked %and3A_334 : memref<40x1024xf32, #tpu.memory_space<vmem>>[vector<16xi32>, vector<16xi32>], vector<16xf32>, vector<16xi1>
          %mul3A_335 = arith.constant 8 : i32
          %mul3A_336 = arith.muli %scan3A_181, %mul3A_335 : i32
          %add3A_337 = arith.constant 7 : i32
          %add3A_338 = arith.addi %mul3A_336, %add3A_337 : i32
          %mul3A_339 = arith.constant 16 : i32
          %mul3A_340 = arith.muli %add3A_338, %mul3A_339 : i32
          %add3A_341 = vector.broadcast %mul3A_340 : i32 to vector<16xi32>
          %add3A_342 = arith.addi %add3A_341, %iota3A : vector<16xi32>
          %mul3A_343 = arith.constant 1024 : i32
          %mul3A_344 = arith.muli %select_n3A_156, %mul3A_343 : i32
          %add3A_345 = vector.broadcast %mul3A_344 : i32 to vector<16xi32>
          %add3A_346 = arith.addi %add3A_345, %add3A_342 : vector<16xi32>
          %gather3A_347 = tpu.vector_load_idx %arg5[%add3A_346] : memref<20480xi32, #tpu.memory_space<vmem>>[vector<16xi32>], vector<16xi32>,
          %sub3A_348 = vector.broadcast %mul3A_174 : i32 to vector<16xi32>
          %sub3A_349 = arith.subi %gather3A_347, %sub3A_348 : vector<16xi32>
          %ge3A_350 = arith.constant 0 : i32
          %ge3A_351 = vector.broadcast %ge3A_350 : i32 to vector<16xi32>
          %ge3A_352 = arith.cmpi sge, %sub3A_349, %ge3A_351 : vector<16xi32>
          %lt3A_353 = arith.constant 40 : i32
          %lt3A_354 = vector.broadcast %lt3A_353 : i32 to vector<16xi32>
          %lt3A_355 = arith.cmpi slt, %sub3A_349, %lt3A_354 : vector<16xi32>
          %and3A_356 = arith.andi %ge3A_352, %lt3A_355 : vector<16xi1>
          tpu.vector_store_idx %arg7[%sub3A_349, %add3A_342], %broadcast_in_dim3A_175 masked %and3A_356 : memref<40x1024xf32, #tpu.memory_space<vmem>>[vector<16xi32>, vector<16xi32>], vector<16xf32>, vector<16xi1>
        }
        %scan3A_180 = arith.constant 8 : i32
      } else {
      }
      %lt3A_78 = arith.constant 500 : i32
      %lt3A_79 = arith.cmpi slt, %add3A_72, %lt3A_78 : i32
      %convert_element_type3A_80 = arith.extui %lt3A_79 : i1 to i32
      %cond3A_81 = arith.constant 0 : i32
      %cond3A_82 = arith.cmpi ne, %convert_element_type3A_80, %cond3A_81 : i32
      scf.if %cond3A_82 {
        %jit3A_83 = arith.constant 25 : i32
        %div3A_84 = arith.divsi %add3A_72, %jit3A_83 : i32
        %sign3A_85 = arith.constant 0 : i32
        %sign3A_86 = arith.cmpi sgt, %add3A_72, %sign3A_85 : i32
        %sign3A_87 = arith.extui %sign3A_86 : i1 to i32
        %sign3A_88 = arith.constant 0 : i32
        %sign3A_89 = arith.cmpi slt, %add3A_72, %sign3A_88 : i32
        %sign3A_90 = arith.extui %sign3A_89 : i1 to i32
        %sign3A_91 = arith.subi %sign3A_87, %sign3A_90 : i32
        %sign3A_92 = arith.constant 0 : i32
        %sign3A_93 = arith.cmpi sgt, %jit3A_83, %sign3A_92 : i32
        %sign3A_94 = arith.extui %sign3A_93 : i1 to i32
        %sign3A_95 = arith.constant 0 : i32
        %sign3A_96 = arith.cmpi slt, %jit3A_83, %sign3A_95 : i32
        %sign3A_97 = arith.extui %sign3A_96 : i1 to i32
        %sign3A_98 = arith.subi %sign3A_94, %sign3A_97 : i32
        %ne3A_99 = arith.cmpi ne, %sign3A_91, %sign3A_98 : i32
        %rem3A_100 = arith.remsi %add3A_72, %jit3A_83 : i32
        %ne3A_101 = arith.constant 0 : i32
        %ne3A_102 = arith.cmpi ne, %rem3A_100, %ne3A_101 : i32
        %and3A_103 = arith.andi %ne3A_99, %ne3A_102 : i1
        %sub3A_104 = arith.constant 1 : i32
        %sub3A_105 = arith.subi %div3A_84, %sub3A_104 : i32
        %select_n3A_106 = arith.select %and3A_103, %sub3A_105, %div3A_84 : i32
        %jit3A_107 = arith.constant 25 : i32
        %eq3A_108 = arith.constant 0 : i32
        %eq3A_109 = arith.cmpi eq, %jit3A_107, %eq3A_108 : i32
        %jit3A_110 = arith.constant 1 : i32
        %select_n3A_111 = arith.select %eq3A_109, %jit3A_110, %jit3A_107 : i32
        %rem3A_112 = arith.remsi %add3A_72, %select_n3A_111 : i32
        %ne3A_113 = arith.constant 0 : i32
        %ne3A_114 = arith.cmpi ne, %rem3A_112, %ne3A_113 : i32
        %lt3A_115 = arith.constant 0 : i32
        %lt3A_116 = arith.cmpi slt, %rem3A_112, %lt3A_115 : i32
        %lt3A_117 = arith.constant 0 : i32
        %lt3A_118 = arith.cmpi slt, %select_n3A_111, %lt3A_117 : i32
        %ne3A_119 = arith.xori %lt3A_116, %lt3A_118 : i1
        %and3A_120 = arith.andi %ne3A_119, %ne3A_114 : i1
        %add3A_121 = arith.addi %rem3A_112, %select_n3A_111 : i32
        %select_n3A_122 = arith.select %and3A_120, %add3A_121, %rem3A_112 : i32
        %mul3A_123 = arith.constant 40 : i32
        %mul3A_124 = arith.muli %select_n3A_122, %mul3A_123 : i32
        %iota3A = tpu.iota {dimensions = array<i32: 0>} : vector<16xi32>
        %broadcast_in_dim3A = arith.constant 1.000000e+00 : f32
        %broadcast_in_dim3A_125 = vector.broadcast %broadcast_in_dim3A : f32 to vector<16xf32>
        %scan3A_126 = arith.constant 0 : i32
        %scan3A_127 = arith.constant 8 : i32
        %scan3A_128 = arith.addi %scan3A_126, %scan3A_127 : i32
        %scan3A_129 = arith.constant 1 : i32
        scf.for %scan3A_178 = %scan3A_126 to %scan3A_128 step %scan3A_129  : i32 {
          %mul3A_179 = arith.constant 8 : i32
          %mul3A_180 = arith.muli %scan3A_178, %mul3A_179 : i32
          %add3A_181 = arith.constant 0 : i32
          %add3A_182 = arith.addi %mul3A_180, %add3A_181 : i32
          %mul3A_183 = arith.constant 16 : i32
          %mul3A_184 = arith.muli %add3A_182, %mul3A_183 : i32
          %add3A_185 = vector.broadcast %mul3A_184 : i32 to vector<16xi32>
          %add3A_186 = arith.addi %add3A_185, %iota3A : vector<16xi32>
          %mul3A_187 = arith.constant 1024 : i32
          %mul3A_188 = arith.muli %select_n3A_106, %mul3A_187 : i32
          %add3A_189 = vector.broadcast %mul3A_188 : i32 to vector<16xi32>
          %add3A_190 = arith.addi %add3A_189, %add3A_186 : vector<16xi32>
          %gather3A = tpu.vector_load_idx %arg5[%add3A_190] : memref<20480xi32, #tpu.memory_space<vmem>>[vector<16xi32>], vector<16xi32>,
          %sub3A_191 = vector.broadcast %mul3A_124 : i32 to vector<16xi32>
          %sub3A_192 = arith.subi %gather3A, %sub3A_191 : vector<16xi32>
          %ge3A_193 = arith.constant 0 : i32
          %ge3A_194 = vector.broadcast %ge3A_193 : i32 to vector<16xi32>
          %ge3A_195 = arith.cmpi sge, %sub3A_192, %ge3A_194 : vector<16xi32>
          %lt3A_196 = arith.constant 40 : i32
          %lt3A_197 = vector.broadcast %lt3A_196 : i32 to vector<16xi32>
          %lt3A_198 = arith.cmpi slt, %sub3A_192, %lt3A_197 : vector<16xi32>
          %and3A_199 = arith.andi %ge3A_195, %lt3A_198 : vector<16xi1>
          tpu.vector_store_idx %arg7[%sub3A_192, %add3A_186], %broadcast_in_dim3A_125 masked %and3A_199 : memref<40x1024xf32, #tpu.memory_space<vmem>>[vector<16xi32>, vector<16xi32>], vector<16xf32>, vector<16xi1>
          %mul3A_200 = arith.constant 8 : i32
          %mul3A_201 = arith.muli %scan3A_178, %mul3A_200 : i32
          %add3A_202 = arith.constant 1 : i32
          %add3A_203 = arith.addi %mul3A_201, %add3A_202 : i32
          %mul3A_204 = arith.constant 16 : i32
          %mul3A_205 = arith.muli %add3A_203, %mul3A_204 : i32
          %add3A_206 = vector.broadcast %mul3A_205 : i32 to vector<16xi32>
          %add3A_207 = arith.addi %add3A_206, %iota3A : vector<16xi32>
          %mul3A_208 = arith.constant 1024 : i32
          %mul3A_209 = arith.muli %select_n3A_106, %mul3A_208 : i32
          %add3A_210 = vector.broadcast %mul3A_209 : i32 to vector<16xi32>
          %add3A_211 = arith.addi %add3A_210, %add3A_207 : vector<16xi32>
          %gather3A_212 = tpu.vector_load_idx %arg5[%add3A_211] : memref<20480xi32, #tpu.memory_space<vmem>>[vector<16xi32>], vector<16xi32>,
          %sub3A_213 = vector.broadcast %mul3A_124 : i32 to vector<16xi32>
          %sub3A_214 = arith.subi %gather3A_212, %sub3A_213 : vector<16xi32>
          %ge3A_215 = arith.constant 0 : i32
          %ge3A_216 = vector.broadcast %ge3A_215 : i32 to vector<16xi32>
          %ge3A_217 = arith.cmpi sge, %sub3A_214, %ge3A_216 : vector<16xi32>
          %lt3A_218 = arith.constant 40 : i32
          %lt3A_219 = vector.broadcast %lt3A_218 : i32 to vector<16xi32>
          %lt3A_220 = arith.cmpi slt, %sub3A_214, %lt3A_219 : vector<16xi32>
          %and3A_221 = arith.andi %ge3A_217, %lt3A_220 : vector<16xi1>
          tpu.vector_store_idx %arg7[%sub3A_214, %add3A_207], %broadcast_in_dim3A_125 masked %and3A_221 : memref<40x1024xf32, #tpu.memory_space<vmem>>[vector<16xi32>, vector<16xi32>], vector<16xf32>, vector<16xi1>
          %mul3A_222 = arith.constant 8 : i32
          %mul3A_223 = arith.muli %scan3A_178, %mul3A_222 : i32
          %add3A_224 = arith.constant 2 : i32
          %add3A_225 = arith.addi %mul3A_223, %add3A_224 : i32
          %mul3A_226 = arith.constant 16 : i32
          %mul3A_227 = arith.muli %add3A_225, %mul3A_226 : i32
          %add3A_228 = vector.broadcast %mul3A_227 : i32 to vector<16xi32>
          %add3A_229 = arith.addi %add3A_228, %iota3A : vector<16xi32>
          %mul3A_230 = arith.constant 1024 : i32
          %mul3A_231 = arith.muli %select_n3A_106, %mul3A_230 : i32
          %add3A_232 = vector.broadcast %mul3A_231 : i32 to vector<16xi32>
          %add3A_233 = arith.addi %add3A_232, %add3A_229 : vector<16xi32>
          %gather3A_234 = tpu.vector_load_idx %arg5[%add3A_233] : memref<20480xi32, #tpu.memory_space<vmem>>[vector<16xi32>], vector<16xi32>,
          %sub3A_235 = vector.broadcast %mul3A_124 : i32 to vector<16xi32>
          %sub3A_236 = arith.subi %gather3A_234, %sub3A_235 : vector<16xi32>
          %ge3A_237 = arith.constant 0 : i32
          %ge3A_238 = vector.broadcast %ge3A_237 : i32 to vector<16xi32>
          %ge3A_239 = arith.cmpi sge, %sub3A_236, %ge3A_238 : vector<16xi32>
          %lt3A_240 = arith.constant 40 : i32
          %lt3A_241 = vector.broadcast %lt3A_240 : i32 to vector<16xi32>
          %lt3A_242 = arith.cmpi slt, %sub3A_236, %lt3A_241 : vector<16xi32>
          %and3A_243 = arith.andi %ge3A_239, %lt3A_242 : vector<16xi1>
          tpu.vector_store_idx %arg7[%sub3A_236, %add3A_229], %broadcast_in_dim3A_125 masked %and3A_243 : memref<40x1024xf32, #tpu.memory_space<vmem>>[vector<16xi32>, vector<16xi32>], vector<16xf32>, vector<16xi1>
          %mul3A_244 = arith.constant 8 : i32
          %mul3A_245 = arith.muli %scan3A_178, %mul3A_244 : i32
          %add3A_246 = arith.constant 3 : i32
          %add3A_247 = arith.addi %mul3A_245, %add3A_246 : i32
          %mul3A_248 = arith.constant 16 : i32
          %mul3A_249 = arith.muli %add3A_247, %mul3A_248 : i32
          %add3A_250 = vector.broadcast %mul3A_249 : i32 to vector<16xi32>
          %add3A_251 = arith.addi %add3A_250, %iota3A : vector<16xi32>
          %mul3A_252 = arith.constant 1024 : i32
          %mul3A_253 = arith.muli %select_n3A_106, %mul3A_252 : i32
          %add3A_254 = vector.broadcast %mul3A_253 : i32 to vector<16xi32>
          %add3A_255 = arith.addi %add3A_254, %add3A_251 : vector<16xi32>
          %gather3A_256 = tpu.vector_load_idx %arg5[%add3A_255] : memref<20480xi32, #tpu.memory_space<vmem>>[vector<16xi32>], vector<16xi32>,
          %sub3A_257 = vector.broadcast %mul3A_124 : i32 to vector<16xi32>
          %sub3A_258 = arith.subi %gather3A_256, %sub3A_257 : vector<16xi32>
          %ge3A_259 = arith.constant 0 : i32
          %ge3A_260 = vector.broadcast %ge3A_259 : i32 to vector<16xi32>
          %ge3A_261 = arith.cmpi sge, %sub3A_258, %ge3A_260 : vector<16xi32>
          %lt3A_262 = arith.constant 40 : i32
          %lt3A_263 = vector.broadcast %lt3A_262 : i32 to vector<16xi32>
          %lt3A_264 = arith.cmpi slt, %sub3A_258, %lt3A_263 : vector<16xi32>
          %and3A_265 = arith.andi %ge3A_261, %lt3A_264 : vector<16xi1>
          tpu.vector_store_idx %arg7[%sub3A_258, %add3A_251], %broadcast_in_dim3A_125 masked %and3A_265 : memref<40x1024xf32, #tpu.memory_space<vmem>>[vector<16xi32>, vector<16xi32>], vector<16xf32>, vector<16xi1>
          %mul3A_266 = arith.constant 8 : i32
          %mul3A_267 = arith.muli %scan3A_178, %mul3A_266 : i32
          %add3A_268 = arith.constant 4 : i32
          %add3A_269 = arith.addi %mul3A_267, %add3A_268 : i32
          %mul3A_270 = arith.constant 16 : i32
          %mul3A_271 = arith.muli %add3A_269, %mul3A_270 : i32
          %add3A_272 = vector.broadcast %mul3A_271 : i32 to vector<16xi32>
          %add3A_273 = arith.addi %add3A_272, %iota3A : vector<16xi32>
          %mul3A_274 = arith.constant 1024 : i32
          %mul3A_275 = arith.muli %select_n3A_106, %mul3A_274 : i32
          %add3A_276 = vector.broadcast %mul3A_275 : i32 to vector<16xi32>
          %add3A_277 = arith.addi %add3A_276, %add3A_273 : vector<16xi32>
          %gather3A_278 = tpu.vector_load_idx %arg5[%add3A_277] : memref<20480xi32, #tpu.memory_space<vmem>>[vector<16xi32>], vector<16xi32>,
          %sub3A_279 = vector.broadcast %mul3A_124 : i32 to vector<16xi32>
          %sub3A_280 = arith.subi %gather3A_278, %sub3A_279 : vector<16xi32>
          %ge3A_281 = arith.constant 0 : i32
          %ge3A_282 = vector.broadcast %ge3A_281 : i32 to vector<16xi32>
          %ge3A_283 = arith.cmpi sge, %sub3A_280, %ge3A_282 : vector<16xi32>
          %lt3A_284 = arith.constant 40 : i32
          %lt3A_285 = vector.broadcast %lt3A_284 : i32 to vector<16xi32>
          %lt3A_286 = arith.cmpi slt, %sub3A_280, %lt3A_285 : vector<16xi32>
          %and3A_287 = arith.andi %ge3A_283, %lt3A_286 : vector<16xi1>
          tpu.vector_store_idx %arg7[%sub3A_280, %add3A_273], %broadcast_in_dim3A_125 masked %and3A_287 : memref<40x1024xf32, #tpu.memory_space<vmem>>[vector<16xi32>, vector<16xi32>], vector<16xf32>, vector<16xi1>
          %mul3A_288 = arith.constant 8 : i32
          %mul3A_289 = arith.muli %scan3A_178, %mul3A_288 : i32
          %add3A_290 = arith.constant 5 : i32
          %add3A_291 = arith.addi %mul3A_289, %add3A_290 : i32
          %mul3A_292 = arith.constant 16 : i32
          %mul3A_293 = arith.muli %add3A_291, %mul3A_292 : i32
          %add3A_294 = vector.broadcast %mul3A_293 : i32 to vector<16xi32>
          %add3A_295 = arith.addi %add3A_294, %iota3A : vector<16xi32>
          %mul3A_296 = arith.constant 1024 : i32
          %mul3A_297 = arith.muli %select_n3A_106, %mul3A_296 : i32
          %add3A_298 = vector.broadcast %mul3A_297 : i32 to vector<16xi32>
          %add3A_299 = arith.addi %add3A_298, %add3A_295 : vector<16xi32>
          %gather3A_300 = tpu.vector_load_idx %arg5[%add3A_299] : memref<20480xi32, #tpu.memory_space<vmem>>[vector<16xi32>], vector<16xi32>,
          %sub3A_301 = vector.broadcast %mul3A_124 : i32 to vector<16xi32>
          %sub3A_302 = arith.subi %gather3A_300, %sub3A_301 : vector<16xi32>
          %ge3A_303 = arith.constant 0 : i32
          %ge3A_304 = vector.broadcast %ge3A_303 : i32 to vector<16xi32>
          %ge3A_305 = arith.cmpi sge, %sub3A_302, %ge3A_304 : vector<16xi32>
          %lt3A_306 = arith.constant 40 : i32
          %lt3A_307 = vector.broadcast %lt3A_306 : i32 to vector<16xi32>
          %lt3A_308 = arith.cmpi slt, %sub3A_302, %lt3A_307 : vector<16xi32>
          %and3A_309 = arith.andi %ge3A_305, %lt3A_308 : vector<16xi1>
          tpu.vector_store_idx %arg7[%sub3A_302, %add3A_295], %broadcast_in_dim3A_125 masked %and3A_309 : memref<40x1024xf32, #tpu.memory_space<vmem>>[vector<16xi32>, vector<16xi32>], vector<16xf32>, vector<16xi1>
          %mul3A_310 = arith.constant 8 : i32
          %mul3A_311 = arith.muli %scan3A_178, %mul3A_310 : i32
          %add3A_312 = arith.constant 6 : i32
          %add3A_313 = arith.addi %mul3A_311, %add3A_312 : i32
          %mul3A_314 = arith.constant 16 : i32
          %mul3A_315 = arith.muli %add3A_313, %mul3A_314 : i32
          %add3A_316 = vector.broadcast %mul3A_315 : i32 to vector<16xi32>
          %add3A_317 = arith.addi %add3A_316, %iota3A : vector<16xi32>
          %mul3A_318 = arith.constant 1024 : i32
          %mul3A_319 = arith.muli %select_n3A_106, %mul3A_318 : i32
          %add3A_320 = vector.broadcast %mul3A_319 : i32 to vector<16xi32>
          %add3A_321 = arith.addi %add3A_320, %add3A_317 : vector<16xi32>
          %gather3A_322 = tpu.vector_load_idx %arg5[%add3A_321] : memref<20480xi32, #tpu.memory_space<vmem>>[vector<16xi32>], vector<16xi32>,
          %sub3A_323 = vector.broadcast %mul3A_124 : i32 to vector<16xi32>
          %sub3A_324 = arith.subi %gather3A_322, %sub3A_323 : vector<16xi32>
          %ge3A_325 = arith.constant 0 : i32
          %ge3A_326 = vector.broadcast %ge3A_325 : i32 to vector<16xi32>
          %ge3A_327 = arith.cmpi sge, %sub3A_324, %ge3A_326 : vector<16xi32>
          %lt3A_328 = arith.constant 40 : i32
          %lt3A_329 = vector.broadcast %lt3A_328 : i32 to vector<16xi32>
          %lt3A_330 = arith.cmpi slt, %sub3A_324, %lt3A_329 : vector<16xi32>
          %and3A_331 = arith.andi %ge3A_327, %lt3A_330 : vector<16xi1>
          tpu.vector_store_idx %arg7[%sub3A_324, %add3A_317], %broadcast_in_dim3A_125 masked %and3A_331 : memref<40x1024xf32, #tpu.memory_space<vmem>>[vector<16xi32>, vector<16xi32>], vector<16xf32>, vector<16xi1>
          %mul3A_332 = arith.constant 8 : i32
          %mul3A_333 = arith.muli %scan3A_178, %mul3A_332 : i32
          %add3A_334 = arith.constant 7 : i32
          %add3A_335 = arith.addi %mul3A_333, %add3A_334 : i32
          %mul3A_336 = arith.constant 16 : i32
          %mul3A_337 = arith.muli %add3A_335, %mul3A_336 : i32
          %add3A_338 = vector.broadcast %mul3A_337 : i32 to vector<16xi32>
          %add3A_339 = arith.addi %add3A_338, %iota3A : vector<16xi32>
          %mul3A_340 = arith.constant 1024 : i32
          %mul3A_341 = arith.muli %select_n3A_106, %mul3A_340 : i32
          %add3A_342 = vector.broadcast %mul3A_341 : i32 to vector<16xi32>
          %add3A_343 = arith.addi %add3A_342, %add3A_339 : vector<16xi32>
          %gather3A_344 = tpu.vector_load_idx %arg5[%add3A_343] : memref<20480xi32, #tpu.memory_space<vmem>>[vector<16xi32>], vector<16xi32>,
          %sub3A_345 = vector.broadcast %mul3A_124 : i32 to vector<16xi32>
          %sub3A_346 = arith.subi %gather3A_344, %sub3A_345 : vector<16xi32>
          %ge3A_347 = arith.constant 0 : i32
          %ge3A_348 = vector.broadcast %ge3A_347 : i32 to vector<16xi32>
          %ge3A_349 = arith.cmpi sge, %sub3A_346, %ge3A_348 : vector<16xi32>
          %lt3A_350 = arith.constant 40 : i32
          %lt3A_351 = vector.broadcast %lt3A_350 : i32 to vector<16xi32>
          %lt3A_352 = arith.cmpi slt, %sub3A_346, %lt3A_351 : vector<16xi32>
          %and3A_353 = arith.andi %ge3A_349, %lt3A_352 : vector<16xi1>
          tpu.vector_store_idx %arg7[%sub3A_346, %add3A_339], %broadcast_in_dim3A_125 masked %and3A_353 : memref<40x1024xf32, #tpu.memory_space<vmem>>[vector<16xi32>, vector<16xi32>], vector<16xf32>, vector<16xi1>
        }
        %scan3A_130 = arith.constant 8 : i32
        %jit3A_131 = arith.constant 25 : i32
        %div3A_132 = arith.divsi %add3A_72, %jit3A_131 : i32
        %sign3A_133 = arith.constant 0 : i32
        %sign3A_134 = arith.cmpi sgt, %add3A_72, %sign3A_133 : i32
        %sign3A_135 = arith.extui %sign3A_134 : i1 to i32
        %sign3A_136 = arith.constant 0 : i32
        %sign3A_137 = arith.cmpi slt, %add3A_72, %sign3A_136 : i32
        %sign3A_138 = arith.extui %sign3A_137 : i1 to i32
        %sign3A_139 = arith.subi %sign3A_135, %sign3A_138 : i32
        %sign3A_140 = arith.constant 0 : i32
        %sign3A_141 = arith.cmpi sgt, %jit3A_131, %sign3A_140 : i32
        %sign3A_142 = arith.extui %sign3A_141 : i1 to i32
        %sign3A_143 = arith.constant 0 : i32
        %sign3A_144 = arith.cmpi slt, %jit3A_131, %sign3A_143 : i32
        %sign3A_145 = arith.extui %sign3A_144 : i1 to i32
        %sign3A_146 = arith.subi %sign3A_142, %sign3A_145 : i32
        %ne3A_147 = arith.cmpi ne, %sign3A_139, %sign3A_146 : i32
        %rem3A_148 = arith.remsi %add3A_72, %jit3A_131 : i32
        %ne3A_149 = arith.constant 0 : i32
        %ne3A_150 = arith.cmpi ne, %rem3A_148, %ne3A_149 : i32
        %and3A_151 = arith.andi %ne3A_147, %ne3A_150 : i1
        %sub3A_152 = arith.constant 1 : i32
        %sub3A_153 = arith.subi %div3A_132, %sub3A_152 : i32
        %select_n3A_154 = arith.select %and3A_151, %sub3A_153, %div3A_132 : i32
        %jit3A_155 = arith.constant 25 : i32
        %eq3A_156 = arith.constant 0 : i32
        %eq3A_157 = arith.cmpi eq, %jit3A_155, %eq3A_156 : i32
        %jit3A_158 = arith.constant 1 : i32
        %select_n3A_159 = arith.select %eq3A_157, %jit3A_158, %jit3A_155 : i32
        %rem3A_160 = arith.remsi %add3A_72, %select_n3A_159 : i32
        %ne3A_161 = arith.constant 0 : i32
        %ne3A_162 = arith.cmpi ne, %rem3A_160, %ne3A_161 : i32
        %lt3A_163 = arith.constant 0 : i32
        %lt3A_164 = arith.cmpi slt, %rem3A_160, %lt3A_163 : i32
        %lt3A_165 = arith.constant 0 : i32
        %lt3A_166 = arith.cmpi slt, %select_n3A_159, %lt3A_165 : i32
        %ne3A_167 = arith.xori %lt3A_164, %lt3A_166 : i1
        %and3A_168 = arith.andi %ne3A_167, %ne3A_162 : i1
        %add3A_169 = arith.addi %rem3A_160, %select_n3A_159 : i32
        %select_n3A_170 = arith.select %and3A_168, %add3A_169, %rem3A_160 : i32
        %mul3A_171 = arith.constant 40 : i32
        %mul3A_172 = arith.muli %select_n3A_170, %mul3A_171 : i32
        %dma_start3A = arith.constant 0 : i32
        %dma_start3A_173 = tpu.memref_slice %arg4[%select_n3A_154, %mul3A_172, %dma_start3A] : memref<20x1000x1024xf32, #tpu.memory_space<hbm>> -> memref<1x40x1024xf32, #tpu.memory_space<hbm>>
        %dma_start3A_174 = tpu.memref_squeeze %dma_start3A_173 : memref<1x40x1024xf32, #tpu.memory_space<hbm>> -> memref<40x1024xf32, #tpu.memory_space<hbm>>
        %dma_start3A_175 = arith.constant 0 : i32
        %dma_start3A_176 = tpu.memref_slice %arg4[%select_n3A_154, %mul3A_172, %dma_start3A_175] : memref<20x1000x1024xf32, #tpu.memory_space<hbm>> -> memref<1x40x1024xf32, #tpu.memory_space<hbm>>
        %dma_start3A_177 = tpu.memref_squeeze %dma_start3A_176 : memref<1x40x1024xf32, #tpu.memory_space<hbm>> -> memref<40x1024xf32, #tpu.memory_space<hbm>>
        tpu.enqueue_dma source(%arg7 : memref<40x1024xf32, #tpu.memory_space<vmem>>) target(%dma_start3A_177 : memref<40x1024xf32, #tpu.memory_space<hbm>>) target_semaphore(%arg9 : memref<!tpu.dma_semaphore, #tpu.memory_space<semaphore_mem>>)
      } else {
      }
    }
    %scan3A_4 = arith.constant 8 : i32
    %add3A_5 = arith.constant 448 : i32
    %add3A_6 = arith.addi %add3A, %add3A_5 : i32
    %jit3A = arith.constant 25 : i32
    %div3A = arith.divsi %add3A_6, %jit3A : i32
    %sign3A = arith.constant 0 : i32
    %sign3A_7 = arith.cmpi sgt, %add3A_6, %sign3A : i32
    %sign3A_8 = arith.extui %sign3A_7 : i1 to i32
    %sign3A_9 = arith.constant 0 : i32
    %sign3A_10 = arith.cmpi slt, %add3A_6, %sign3A_9 : i32
    %sign3A_11 = arith.extui %sign3A_10 : i1 to i32
    %sign3A_12 = arith.subi %sign3A_8, %sign3A_11 : i32
    %sign3A_13 = arith.constant 0 : i32
    %sign3A_14 = arith.cmpi sgt, %jit3A, %sign3A_13 : i32
    %sign3A_15 = arith.extui %sign3A_14 : i1 to i32
    %sign3A_16 = arith.constant 0 : i32
    %sign3A_17 = arith.cmpi slt, %jit3A, %sign3A_16 : i32
    %sign3A_18 = arith.extui %sign3A_17 : i1 to i32
    %sign3A_19 = arith.subi %sign3A_15, %sign3A_18 : i32
    %ne3A = arith.cmpi ne, %sign3A_12, %sign3A_19 : i32
    %rem3A = arith.remsi %add3A_6, %jit3A : i32
    %ne3A_20 = arith.constant 0 : i32
    %ne3A_21 = arith.cmpi ne, %rem3A, %ne3A_20 : i32
    %and3A = arith.andi %ne3A, %ne3A_21 : i1
    %sub3A = arith.constant 1 : i32
    %sub3A_22 = arith.subi %div3A, %sub3A : i32
    %select_n3A = arith.select %and3A, %sub3A_22, %div3A : i32
    %jit3A_23 = arith.constant 25 : i32
    %eq3A = arith.constant 0 : i32
    %eq3A_24 = arith.cmpi eq, %jit3A_23, %eq3A : i32
    %jit3A_25 = arith.constant 1 : i32
    %select_n3A_26 = arith.select %eq3A_24, %jit3A_25, %jit3A_23 : i32
    %rem3A_27 = arith.remsi %add3A_6, %select_n3A_26 : i32
    %ne3A_28 = arith.constant 0 : i32
    %ne3A_29 = arith.cmpi ne, %rem3A_27, %ne3A_28 : i32
    %lt3A = arith.constant 0 : i32
    %lt3A_30 = arith.cmpi slt, %rem3A_27, %lt3A : i32
    %lt3A_31 = arith.constant 0 : i32
    %lt3A_32 = arith.cmpi slt, %select_n3A_26, %lt3A_31 : i32
    %ne3A_33 = arith.xori %lt3A_30, %lt3A_32 : i1
    %and3A_34 = arith.andi %ne3A_33, %ne3A_29 : i1
    %add3A_35 = arith.addi %rem3A_27, %select_n3A_26 : i32
    %select_n3A_36 = arith.select %and3A_34, %add3A_35, %rem3A_27 : i32
    %mul3A_37 = arith.constant 40 : i32
    %mul3A_38 = arith.muli %select_n3A_36, %mul3A_37 : i32
    %dma_wait3A = arith.constant 0 : i32
    %dma_wait3A_39 = tpu.memref_slice %arg4[%select_n3A, %mul3A_38, %dma_wait3A] : memref<20x1000x1024xf32, #tpu.memory_space<hbm>> -> memref<1x40x1024xf32, #tpu.memory_space<hbm>>
    %dma_wait3A_40 = tpu.memref_squeeze %dma_wait3A_39 : memref<1x40x1024xf32, #tpu.memory_space<hbm>> -> memref<40x1024xf32, #tpu.memory_space<hbm>>
    %dma_wait3A_41 = arith.constant 0 : i32
    %dma_wait3A_42 = tpu.memref_slice %arg4[%select_n3A, %mul3A_38, %dma_wait3A_41] : memref<20x1000x1024xf32, #tpu.memory_space<hbm>> -> memref<1x40x1024xf32, #tpu.memory_space<hbm>>
    %dma_wait3A_43 = tpu.memref_squeeze %dma_wait3A_42 : memref<1x40x1024xf32, #tpu.memory_space<hbm>> -> memref<40x1024xf32, #tpu.memory_space<hbm>>
    tpu.wait_dma2 semaphore(%arg8 : memref<!tpu.dma_semaphore, #tpu.memory_space<semaphore_mem>>) src(%arg6 : memref<40x1024xf32, #tpu.memory_space<vmem>>) dst(%dma_wait3A_43 : memref<40x1024xf32, #tpu.memory_space<hbm>>)
    %add3A_44 = arith.constant 480 : i32
    %add3A_45 = arith.addi %add3A, %add3A_44 : i32
    %lt3A_46 = arith.constant 500 : i32
    %lt3A_47 = arith.cmpi slt, %add3A_45, %lt3A_46 : i32
    %convert_element_type3A = arith.extui %lt3A_47 : i1 to i32
    %cond3A = arith.constant 0 : i32
    %cond3A_48 = arith.cmpi ne, %convert_element_type3A, %cond3A : i32
    scf.if %cond3A_48 {
      %jit3A_49 = arith.constant 25 : i32
      %div3A_50 = arith.divsi %add3A_45, %jit3A_49 : i32
      %sign3A_51 = arith.constant 0 : i32
      %sign3A_52 = arith.cmpi sgt, %add3A_45, %sign3A_51 : i32
      %sign3A_53 = arith.extui %sign3A_52 : i1 to i32
      %sign3A_54 = arith.constant 0 : i32
      %sign3A_55 = arith.cmpi slt, %add3A_45, %sign3A_54 : i32
      %sign3A_56 = arith.extui %sign3A_55 : i1 to i32
      %sign3A_57 = arith.subi %sign3A_53, %sign3A_56 : i32
      %sign3A_58 = arith.constant 0 : i32
      %sign3A_59 = arith.cmpi sgt, %jit3A_49, %sign3A_58 : i32
      %sign3A_60 = arith.extui %sign3A_59 : i1 to i32
      %sign3A_61 = arith.constant 0 : i32
      %sign3A_62 = arith.cmpi slt, %jit3A_49, %sign3A_61 : i32
      %sign3A_63 = arith.extui %sign3A_62 : i1 to i32
      %sign3A_64 = arith.subi %sign3A_60, %sign3A_63 : i32
      %ne3A_65 = arith.cmpi ne, %sign3A_57, %sign3A_64 : i32
      %rem3A_66 = arith.remsi %add3A_45, %jit3A_49 : i32
      %ne3A_67 = arith.constant 0 : i32
      %ne3A_68 = arith.cmpi ne, %rem3A_66, %ne3A_67 : i32
      %and3A_69 = arith.andi %ne3A_65, %ne3A_68 : i1
      %sub3A_70 = arith.constant 1 : i32
      %sub3A_71 = arith.subi %div3A_50, %sub3A_70 : i32
      %select_n3A_72 = arith.select %and3A_69, %sub3A_71, %div3A_50 : i32
      %jit3A_73 = arith.constant 25 : i32
      %eq3A_74 = arith.constant 0 : i32
      %eq3A_75 = arith.cmpi eq, %jit3A_73, %eq3A_74 : i32
      %jit3A_76 = arith.constant 1 : i32
      %select_n3A_77 = arith.select %eq3A_75, %jit3A_76, %jit3A_73 : i32
      %rem3A_78 = arith.remsi %add3A_45, %select_n3A_77 : i32
      %ne3A_79 = arith.constant 0 : i32
      %ne3A_80 = arith.cmpi ne, %rem3A_78, %ne3A_79 : i32
      %lt3A_81 = arith.constant 0 : i32
      %lt3A_82 = arith.cmpi slt, %rem3A_78, %lt3A_81 : i32
      %lt3A_83 = arith.constant 0 : i32
      %lt3A_84 = arith.cmpi slt, %select_n3A_77, %lt3A_83 : i32
      %ne3A_85 = arith.xori %lt3A_82, %lt3A_84 : i1
      %and3A_86 = arith.andi %ne3A_85, %ne3A_80 : i1
      %add3A_87 = arith.addi %rem3A_78, %select_n3A_77 : i32
      %select_n3A_88 = arith.select %and3A_86, %add3A_87, %rem3A_78 : i32
      %mul3A_89 = arith.constant 40 : i32
      %mul3A_90 = arith.muli %select_n3A_88, %mul3A_89 : i32
      %dma_wait3A_91 = arith.constant 0 : i32
      %dma_wait3A_92 = tpu.memref_slice %arg4[%select_n3A_72, %mul3A_90, %dma_wait3A_91] : memref<20x1000x1024xf32, #tpu.memory_space<hbm>> -> memref<1x40x1024xf32, #tpu.memory_space<hbm>>
      %dma_wait3A_93 = tpu.memref_squeeze %dma_wait3A_92 : memref<1x40x1024xf32, #tpu.memory_space<hbm>> -> memref<40x1024xf32, #tpu.memory_space<hbm>>
      %dma_wait3A_94 = arith.constant 0 : i32
      %dma_wait3A_95 = tpu.memref_slice %arg4[%select_n3A_72, %mul3A_90, %dma_wait3A_94] : memref<20x1000x1024xf32, #tpu.memory_space<hbm>> -> memref<1x40x1024xf32, #tpu.memory_space<hbm>>
      %dma_wait3A_96 = tpu.memref_squeeze %dma_wait3A_95 : memref<1x40x1024xf32, #tpu.memory_space<hbm>> -> memref<40x1024xf32, #tpu.memory_space<hbm>>
      tpu.wait_dma2 semaphore(%arg9 : memref<!tpu.dma_semaphore, #tpu.memory_space<semaphore_mem>>) src(%arg7 : memref<40x1024xf32, #tpu.memory_space<vmem>>) dst(%dma_wait3A_96 : memref<40x1024xf32, #tpu.memory_space<hbm>>)
    } else {
    }
    return
  }
}

</mosaic_0001>

<sc_bundles>
// kernel: _one_hot_t.3.cloned.1.call-start
scs
__scs_entry_jumppad:
0x0: {  	(pc) =	sbr.rel $0x88, $3  }
0x1: {  	(tag) =	ssettag $0x0;
	lr =	simm.s32 $0x1  }
0x2: {  	[smem:$0x3FA0] =	sst lr;
	_ =	strace $0xD0000000  }
0x3: {  	_ = 	snop  }
0x4: {  	_ = 	snop  }
0x5: {  	_ = 	snop  }
0x6: {  	_ = 	snop  }
0x7: {  	_ = 	snop  }
__scs_overlays_trampoline_lowered:
0x8: {  	[smem:$0x3FAF] =	sst s0  }
0x9: {  	[smem:$0x3FB0] =	sst s1  }
0xa: {  	[smem:$0x3FB1] =	sst s2  }
0xb: {  	[smem:$0x3FB2] =	sst s3  }
0xc: {  	[smem:$0x3FB3] =	sst s4  }
0xd: {  	[smem:$0x3FB4] =	sst s5  }
0xe: {  	[smem:$0x3FB5] =	sst s6  }
0xf: {  	[smem:$0x3FB6] =	sst s7  }
0x10: {  	[smem:$0x3FB7] =	sst s8  }
0x11: {  	[smem:$0x3FB8] =	sst s9;
	s0 =	simm.s32 @!p0 $0x0  }
0x12: {  	s1 =	sld [smem:$0x3F9E];
	s0 =	simm.s32 @p0 $0x1  }
0x13: {  	[smem:$0x3FB9] =	sst s0;
	s0 =	simm.s32 @!p1 $0x0  }
0x14: {  	s2 =	sld [smem:$0x3F9D];
	s0 =	simm.s32 @p1 $0x1  }
0x15: {  	[smem:$0x3FBA] =	sst s0;
	s0 =	simm.s32 @!p2 $0x0  }
0x16: {  	s3 =	sld [smem:$0x3FDB];
	s0 =	simm.s32 @p2 $0x1  }
0x17: {  	s4 =	simm.s32 $0x1BF5;
	[smem:$0x3FBC] =	sst s0  }
0x18: {  	s0 =	sld [smem:$0x3F9F];
	_ =	swait.ge [sflag:s4], $0x0  }
0x19: {  	s7 =	sld [smem:$0x3FA0]  }
0x1a: {  	s8 =	sadd.s32 $0xFFFFE003, lr  }
0x1b: {  	s9 =	sadd.s32 $0xFFFFFEF7, lr;
	s5 =	simm.s32 $0xFFFFFFFF;
	p2 =	slt.u32 s8, $0xFFFFF086  }
0x1c: {  	p1 =	slt.u32 s9, $0xF7A;
	s5 =	simm.s32 @!p2 $0x0  }
0x1d: {  	s5 =	simm.s32 @p1 $0x1;
	p0 =	seq.s32 s7, s2  }
0x1e: {  	s7 =	smul.u32 @!p0 $0xF7A, s2;
	p2 =	seq.s32 @!p0 s5, $0x0  }
0x1f: {  	s9 =	smul.u32 $0xF7A, s1;
	s8 =	simm.s32 @!p0 $0x1BF5;
	p2 =	por !p2, p0  }
0x20: {  	[sflag:s8] =	ssyncset.s32 @!p0 $0xFFFFF086;
	s6 =	sadd.s32 @!p0 s3, s7;
	s7 =	simm.s32 @!p0 $0x108  }
0x21: {  	s3 =	sadd.s32 s3, s9;
	s6 =	sadd.s32 @!p0 $0x88, s6;
	s7 =	simm.s32 @p2 $0x1082  }
0x22: {  	[simem:s7], [sflag:s8] =	dma.local @!p0 [hbm:s6], $0xF7A  }
0x23: {  	s9 =	sor.u32 $0xD0000000, s2;
	s6 =	simm.s32 $0x108;
	_ =	swait.ge @!p0 [sflag:s8], $0x0  }
0x24: {  	s3 =	sadd.s32 $0x88, s3;
	s6 =	simm.s32 @!p1 $0x1082;
	[sflag:s4] =	ssyncset.s32 $0xFFFFF086  }
0x25: {  	[simem:s6], [sflag:s4] =	dma.local [hbm:s3], $0xF7A  }
0x26: {  	[smem:$0x3FA0] =	sst s1;
	(tag) =	ssettag s2;
	_ =	strace s9  }
0x27: {  	s1 =	sld [smem:$0x3FB0]  }
0x28: {  	s2 =	sld [smem:$0x3FB1]  }
0x29: {  	s4 =	sld [smem:$0x3FB3]  }
0x2a: {  	p0 =	seq.s32 s5, $0x0;
	s5 =	sld [smem:$0x3FB4]  }
0x2b: {  	s6 =	sld [smem:$0x3FB5]  }
0x2c: {  	s7 =	sld [smem:$0x3FB6]  }
0x2d: {  	s3 =	simm.s32 $0x108;
	s8 =	sld [smem:$0x3FB7]  }
0x2e: {  	s3 =	simm.s32 @!p0 $0x1082;
	s9 =	sld [smem:$0x3FB8]  }
0x2f: {  	lr =	sadd.s32 s0, s3;
	s0 =	sld [smem:$0x3FAF]  }
0x30: {  	s3 =	sld [smem:$0x3FB2]  }
0x31: {  	[smem:$0x3FBB] =	sst s10  }
0x32: {  	s10 =	sld [smem:$0x3FB9];
	_ =	sdelay $0x3  }
0x33: {  	p0 =	seq.s32 s10, $0x1;
	s10 =	sld [smem:$0x3FBB];
	_ =	sdelay $0x3  }
0x34: {  	[smem:$0x3FBB] =	sst s10  }
0x35: {  	s10 =	sld [smem:$0x3FBA];
	_ =	sdelay $0x3  }
0x36: {  	p1 =	seq.s32 s10, $0x1;
	s10 =	sld [smem:$0x3FBB];
	_ =	sdelay $0x3  }
0x37: {  	[smem:$0x3FBB] =	sst s10  }
0x38: {  	s10 =	sld [smem:$0x3FBC]  }
0x39: {  	_ = 	snop;
	(pc) =	sbr.ind lr, $3  }
0x3a: {  	_ = 	snop  }
0x3b: {  	_ = 	snop  }
0x3c: {  	p2 =	seq.s32 s10, $0x1;
	s10 =	sld [smem:$0x3FBB]  }
0x3d: {  	_ =	shalt  }
0x3e: {  	_ =	shalt  }
0x3f: {  	_ =	shalt  }
0x40: {  	_ =	shalt  }
0x41: {  	_ =	shalt  }
0x42: {  	_ =	shalt  }
0x43: {  	_ =	shalt  }
0x44: {  	_ =	shalt  }
0x45: {  	_ =	shalt  }
0x46: {  	_ =	shalt  }
0x47: {  	_ =	shalt  }
0x48: {  	_ =	shalt  }
0x49: {  	_ =	shalt  }
0x4a: {  	_ =	shalt  }
0x4b: {  	_ =	shalt  }
0x4c: {  	_ =	shalt  }
0x4d: {  	_ =	shalt  }
0x4e: {  	_ =	shalt  }
0x4f: {  	_ =	shalt  }
0x50: {  	_ =	shalt  }
0x51: {  	_ =	shalt  }
0x52: {  	_ =	shalt  }
0x53: {  	_ =	shalt  }
0x54: {  	_ =	shalt  }
0x55: {  	_ =	shalt  }
0x56: {  	_ =	shalt  }
0x57: {  	_ =	shalt  }
0x58: {  	_ =	shalt  }
0x59: {  	_ =	shalt  }
0x5a: {  	_ =	shalt  }
0x5b: {  	_ =	shalt  }
0x5c: {  	_ =	shalt  }
0x5d: {  	_ =	shalt  }
0x5e: {  	_ =	shalt  }
0x5f: {  	_ =	shalt  }
0x60: {  	_ =	shalt  }
0x61: {  	_ =	shalt  }
0x62: {  	_ =	shalt  }
0x63: {  	_ =	shalt  }
0x64: {  	_ =	shalt  }
0x65: {  	_ =	shalt  }
0x66: {  	_ =	shalt  }
0x67: {  	_ =	shalt  }
0x68: {  	_ =	shalt  }
0x69: {  	_ =	shalt  }
0x6a: {  	_ =	shalt  }
0x6b: {  	_ =	shalt  }
0x6c: {  	_ =	shalt  }
0x6d: {  	_ =	shalt  }
0x6e: {  	_ =	shalt  }
0x6f: {  	_ =	shalt  }
0x70: {  	_ =	shalt  }
0x71: {  	_ =	shalt  }
0x72: {  	_ =	shalt  }
0x73: {  	_ =	shalt  }
0x74: {  	_ =	shalt  }
0x75: {  	_ =	shalt  }
0x76: {  	_ =	shalt  }
0x77: {  	_ =	shalt  }
0x78: {  	_ =	shalt  }
0x79: {  	_ =	shalt  }
0x7a: {  	_ =	shalt  }
0x7b: {  	_ =	shalt  }
0x7c: {  	_ =	shalt  }
0x7d: {  	_ =	shalt  }
0x7e: {  	_ =	shalt  }
0x7f: {  	_ =	shalt  }
0x80: {  	_ =	shalt  }
0x81: {  	_ =	shalt  }
0x82: {  	_ =	shalt  }
0x83: {  	_ =	shalt  }
0x84: {  	_ =	shalt  }
0x85: {  	_ =	shalt  }
0x86: {  	_ =	shalt  }
0x87: {  	_ =	shalt  }
.Lfunc_end0:
.L_simem_size_0:
called_computation_lowered:
.L_overlay_start_0:
0x88: {  	s2 =	sld [smem:$0x3FD9]  }
0x89: {  	s3 =	sld [smem:$0x3FFE];
	_ =	sdelay $0x1  }
0x8a: {  	s1 =	srdreg.scid  }
0x8b: {  	s0 =	sand.u32 $0x1, s1  }
0x8c: {  	s17 =	sshll.u32 s0, $0xA;
	s2 =	sadd.s32 s3, s2  }
0x8d: {  	s2 =	sadd.s32 s2, s17  }
0x8e: {  	[smem:$0x3FC7] =	sst s2  }
0x8f: {  	_ = 	snop  }
0x90: {  	s2 =	sld [smem:$0x3FC9]  }
0x91: {  	s18 =	sld [smem:$0x3FD0];
	(tm) =	ssettm $0x1  }
0x92: {  	s4 =	sld [smem:$0x3FFB];
	_ =	sdelay $0x3  }
0x93: {  	_ =	strace s4  }
0x94: {  	s4 =	sld [smem:$0x3FFC];
	_ =	sdelay $0x3  }
0x95: {  	_ =	strace s4  }
0x96: {  	s4 =	sld [smem:$0x3FFD];
	_ =	sdelay $0x3  }
0x97: {  	_ =	strace s4  }
0x98: {  	_ =	strace $0x8FFFFFFF  }
0x99: {  	s19 =	sld [smem:$0x3FDB];
	_ =	sdelay $0x1  }
0x9a: {  	s5 =	simm.s32 $_scs_section_size  }
0x9b: {  	s6 =	simm.s32 $_size__tile_overlayer_lowered;
	s7 =	simm.s32 $_tile_overlayer_lowered  }
0x9c: {  	s22 =	simm.s32 $0x1BFF;
	s21 =	sshll.u32 s7, $0x1;
	s4 =	sadd.s32 s5, s19  }
0x9d: {  	s8 =	simm.s32 $0x0;
	s20 =	sshll.u32 s6, $0x1;
	s6 =	sadd.s32 s21, s4  }
0x9e: {  	[timem:s8], [sflag:s22] =	dma.local [hbm:s6], s20  }
0x9f: {  	_ =	swait.ge [sflag:s22], s20  }
0xa0: {  	s5 =	ssub.s32 $0x0, s20;
	[sflag:s22] =	ssyncset.done $0x0  }
0xa1: {  	[sflag:s22] =	ssyncadd.s32 s5;
	_ =	sdelay $0x1  }
0xa2: {  	s23 =	simm.s32 $0x1B8B  }
0xa3: {  	_ =	swait.ge [sflag:s23], $0x1  }
0xa4: {  	[sflag:s23] =	ssyncset.done $0x0  }
0xa5: {  	s25 =	simm.s32 $0x1B8E;
	s24 =	sld [smem:$0x3FFE];
	[sflag:s23] =	ssyncadd.s32 $0xFFFFFFFF  }
0xa6: {  	s26 =	simm.s32 $execute0_lowered;
	[smem:$0x3FD2] =	sst s25  }
0xa7: {  	s6 =	sshll.u32 s26, $0x1;
	_ =	strace $0x80000046;
	[dreg:$0x1] =	wrdreg $0xFFFFFFFF  }
0xa8: {  	s28 =	simm.s32 $_size_execute0_lowered;
	s4 =	sadd.s32 s4, s6;
	[dreg:$0x0] =	wrdreg $0x0  }
0xa9: {  	s6 =	sshll.u32 s28, $0x1;
	[dreg:$0x2] =	wrdreg s4  }
0xaa: {  	[dreg:$0x3] =	wrdreg s6  }
0xab: {  	[dreg:$0x4] =	wrdreg $0xC0  }
0xac: {  	_ =	task [dreg:s8], $0x5FFFF  }
0xad: {  	[dreg:$0x1] =	wrdreg $0xFFFFFFFF  }
0xae: {  	[dreg:$0x0] =	wrdreg $0x60  }
0xaf: {  	[dreg:$0x2] =	wrdreg s2  }
0xb0: {  	[dreg:$0x3] =	wrdreg s24  }
0xb1: {  	[dreg:$0x4] =	wrdreg s18  }
0xb2: {  	[dreg:$0x5] =	wrdreg $0x9  }
0xb3: {  	_ =	task.clear_ibuf [dreg:s8], $0x6FFFF;
	_ =	strace $0x90000046  }
0xb4: {  	s29 =	simm.s32 $0x9;
	_ =	strace $0x80000048  }
0xb5: {  	_ =	swait.ge [sflag:s29], $0x1  }
0xb6: {  	[sflag:s29] =	ssyncadd.s32 $0xFFFFFFFF  }
0xb7: {  	_ =	strace $0x90000048  }
0xb8: {  	_ =	sfence  }
0xb9: {  	s30 =	sld [smem:$0x0];
	_ =	sdelay $0x2  }
0xba: {  	s31 =	sshll.u32 s1, $0xD;
	s1 =	sshrl.u32 s1, $0x2  }
0xbb: {  	s3 =	sand.u32 $0x4000, s31;
	s1 =	sadd.s32 s1, s30  }
0xbc: {  	s0 =	sor.u32 s3, s0;
	s1 =	sshll.u32 s1, $0x11  }
0xbd: {  	s0 =	sor.u32 s1, s0  }
0xbe: {  	s0 =	sadd.s32 $0x8F2B, s0  }
0xbf: {  	[sflag:s0] =	ssyncadd.remote.s32 $0x1  }
0xc0: {  	_ =	sfence.sel $0xFFFF  }
0xc1: {  	[dreg:$0x0] =	wrdreg $0xFFFFFFFF;
	(pc) =	sbr.abs _section_cstart, $3  }
0xc2: {  	[dreg:$0x1] =	wrdreg $0xFFFFFFFF  }
0xc3: {  	_ =	task.clear_ibuf [dreg:s8], $0x2FFFF;
	_ =	strace $0x9FFFFFFF  }
0xc4: {  	(tm) =	ssettm $0x7FFFFFFF  }
0xc5: {  	_ =	shalt  }
tec
execute0_lowered:
.L_overlay_start_1:
0x0: {  	(tag) =	ssettag $0x1  }
0x1: {  	s1 =	rddreg [dreg:$0x0]  }
0x2: {  	s5 =	rddreg [dreg:$0x1]  }
0x3: {  	s2 =	rddreg [dreg:$0x2]  }
0x4: {  	s4 =	srdreg.scid;
	s0 =	rddreg [dreg:$0x3];
	s3 =	simm.s32 $0x0  }
0x5: {  	s9 =	simm.s32 $0x3;
	s10 =	simm.s32 $0x5000;
	s11 =	simm.s32 $0xF000  }
.Ltmp0:
0x6: {  	s12 =	simm.s32 $0x1;
	s4 =	sand.u32 $0x1, s4;
	(pc) =	sbr.rel .LBB2_1-.Ltmp0, $4  }
0x7: {  	v0 =	vlaneseq.u32;
	s13 =	simm.s32 $0x2;
	s14 =	simm.s32 $0x0;
	s7 =	ssub.s32 $0x2, s4  }
0x8: {  	v1 =	vimm.f32 $1.000000000e+00;
	v9 =	vimm.f32 $0.0e+00;
	[smem:$0x7FF] =	sst s3;
	s6 =	sadd.s32 $0x400, s5;
	v2 =	vor.u32 $0x10, v0;
	s8 =	sshrl.u32 s7, $0x1  }
0x9: {  	s5 =	stileid.u32;
	v3 =	vor.u32 $0x20, v0;
	v4 =	vor.u32 $0x30, v0;
	v5 =	vor.u32 $0x40, v0;
	_ =	strace $0x80000047;
	s8 =	ssub.s32 s7, s8  }
0xa: {  	v6 =	vor.u32 $0x50, v0;
	v7 =	vor.u32 $0x60, v0;
	v8 =	vor.u32 $0x70, v0;
	p0 =	sgt.u32 s5, $0x9;
	s7 =	sshll.u32 s5, $0x1;
	s8 =	smax.u32 s8, $0x1  }
.LBB2_15:
0xb: {  	s14 =	sadd.s32 $0x1, s14  }
0xc: {  	_ =	swait.ge [sflag:s12], $0xA000;
	p1 =	sne.s32 s14, s8  }
.Ltmp1:
0xd: {  	[sflag:s12] =	ssyncset.done $0x0;
	(pc) =	sbr.rel @!p1 .LBB2_16-.Ltmp1, $4  }
0xe: {  	s15 =	simm.s32 @!p0 $0x2;
	[sflag:s12] =	ssyncadd.s32 $0xFFFF6000  }
0xf: {  	_ =	swait.ge @!p0 [sflag:s15], $0xA000  }
0x10: {  	[sflag:s15] =	ssyncset.done @!p0 $0x0  }
0x11: {  	[sflag:s15] =	ssyncadd.s32 @!p0 $0xFFFF6000  }
.LBB2_1:
0x12: {  	[tilespmem:s3], [sflag:$0x3] =	stream.linear.gather [hbm4b:s1+s3], $0x5000, $0x38;
	[tilespmem:$0x19000] =	vst v63  }
0x13: {  	_ =	swait.ge [sflag:s9], $0x5000  }
0x14: {  	[sflag:s9] =	ssyncset.done $0x0  }
0x15: {  	[sflag:s9] =	ssyncadd.s32 $0xFFFFB000  }
0x16: {  	[tilespmem:s10], [sflag:$0x3] =	stream.linear.gather [hbm4b:s6+s3], $0xA000, $0x38;
	[tilespmem:$0x19000] =	vst v63  }
0x17: {  	_ =	swait.ge [sflag:s9], $0xA000  }
0x18: {  	[sflag:s9] =	ssyncset.done $0x0  }
.Ltmp2:
0x19: {  	[sflag:s9] =	ssyncadd.s32 $0xFFFF6000;
	(pc) =	sbr.rel .LBB2_2-.Ltmp2, $4  }
0x1a: {  	[tilespmem:s11], [sflag:$0x3] =	stream.linear.gather [hbm4b:s6+s3], $0xA000, $0x38;
	[tilespmem:$0x19000] =	vst v63  }
0x1b: {  	_ =	swait.ge [sflag:s9], $0xA000  }
0x1c: {  	[sflag:s9] =	ssyncset.done $0x0  }
0x1d: {  	s15 =	simm.s32 $0x0;
	[sflag:s9] =	ssyncadd.s32 $0xFFFF6000  }
.LBB2_14:
0x1e: {  	s15 =	sadd.s32 $0x1, s15  }
0x1f: {  	p1 =	sne.s32 s15, $0x8  }
.Ltmp3:
0x20: {  	_ = 	snop;
	(pc) =	sbr.rel @!p1 .LBB2_15-.Ltmp3, $1  }
0x21: {  	_ =	sdelay $0x3  }
.LBB2_2:
0x22: {  	p1 =	seq.s32 s15, $0x0  }
.Ltmp4:
0x23: {  	_ = 	snop;
	(pc) =	sbr.rel @p1 .LBB2_5-.Ltmp4, $4  }
0x24: {  	_ = 	snop  }
0x25: {  	s16 =	sshll.u32 s15, $0x6  }
0x26: {  	s16 =	sor.u32 s16, s7  }
0x27: {  	s16 =	sor.u32 s4, s16  }
0x28: {  	s17 =	sadd.s32 $0xFFFFFFC0, s16  }
0x29: {  	s18 =	smulhi.u32 $0x51EB851F, s17;
	s19 =	sshra.s32 s17, $0x1F  }
0x2a: {  	s19 =	smul.u32 $0x51EB851F, s19;
	_ =	sdelay $0x1  }
0x2b: {  	s18 =	sadd.s32 s19, s18  }
0x2c: {  	s19 =	sshrl.u32 s18, $0x1F;
	s18 =	sshra.s32 s18, $0x3  }
0x2d: {  	s18 =	sadd.s32 s19, s18  }
0x2e: {  	s19 =	smul.u32 $0xFFFFFFE7, s18;
	_ =	sdelay $0x1  }
0x2f: {  	s17 =	sadd.s32 s17, s19  }
0x30: {  	p2 =	slt.u32 s16, $0x41;
	p3 =	sne.s32 s17, $0x0  }
0x31: {  	s19 =	simm.s32 $0x1;
	p2 =	por !p2, !p3  }
0x32: {  	s20 =	sadd.s32 $0x19, s17;
	p3 =	slt.s32 s17, $0x0;
	p2 =	por !p2, !p2  }
0x33: {  	s17 =	smov.u32 @p3 s20;
	s19 =	simm.s32 @!p2 $0x0  }
0x34: {  	_ =	swait.ge [sflag:s12], $0xA000;
	s17 =	smul.u32 $0x28, s17;
	s18 =	ssub.s32 s18, s19  }
0x35: {  	[sflag:s12] =	ssyncset.done $0x0;
	s18 =	sshll.u32 s18, $0xA  }
0x36: {  	[sflag:s12] =	ssyncadd.s32 $0xFFFF6000;
	v11 =	vmov s17;
	s17 =	simm.s32 $0x70;
	v10 =	vor.u32 s18, v0  }
.LBB2_4:
0x37: {  	s18 =	sadd.s32 $0xFFFFFF90, s17  }
0x38: {  	v12 =	vor.u32 s18, v10;
	_ =	sdelay $0x4  }
0x39: {  	v12 =	vld.idx.msk [tilespmem:v12+s3+$0x0], $0xffff;
	_ =	sdelay $0x4  }
0x3a: {  	v13 =	vsub.s32 v12, v11  }
0x3b: {  	v14 =	vmov s18;
	v15 =	vshll.u32 v13, $0xA  }
0x3c: {  	v14 =	vshll.u32 v14, $0x3;
	v12 =	vshll.u32 v12, $0x7;
	v15 =	vand.u32 $0xFFFFE000, v15  }
0x3d: {  	v12 =	vand.u32 $0x380, v12;
	v14 =	vadd.s32 v14, v15  }
0x3e: {  	vm0 =	vlt.u32 v13, $0x28;
	v12 =	vor.u32 v12, v14  }
0x3f: {  	s25 =	sadd.s32 $0xFFFFFFA0, s17;
	v12 =	vor.u32 v0, v12  }
0x40: {  	v35 =	vor.u32 s25, v10;
	_ =	sdelay $0x3  }
0x41: {  	[tilespmem:v12+s10+$0x0] =	vst.idx.msk vm0, v9  }
0x42: {  	v12 =	vld.idx.msk [tilespmem:v35+s3+$0x0], $0xffff;
	_ =	sdelay $0x3  }
0x43: {  	v36 =	vmov s25  }
0x44: {  	v13 =	vshll.u32 v36, $0x3;
	v37 =	vsub.s32 v12, v11;
	v12 =	vshll.u32 v12, $0x7  }
0x45: {  	v13 =	vand.u32 $0x1C00, v13;
	v38 =	vshll.u32 v37, $0xA;
	v12 =	vand.u32 $0x380, v12  }
0x46: {  	v15 =	vand.u32 $0xFFFFE000, v38;
	v12 =	vor.u32 v12, v13  }
0x47: {  	vm9 =	vlt.u32 v37, $0x28;
	v12 =	vor.u32 v15, v12  }
0x48: {  	s26 =	sadd.s32 $0xFFFFFFB0, s17;
	v12 =	vor.u32 v2, v12  }
0x49: {  	v39 =	vor.u32 s26, v10;
	_ =	sdelay $0x3  }
0x4a: {  	[tilespmem:v12+s10+$0x0] =	vst.idx.msk vm9, v9  }
0x4b: {  	v12 =	vld.idx.msk [tilespmem:v39+s3+$0x0], $0xffff;
	_ =	sdelay $0x3  }
0x4c: {  	v40 =	vmov s26  }
0x4d: {  	v13 =	vshll.u32 v40, $0x3;
	v41 =	vsub.s32 v12, v11;
	v12 =	vshll.u32 v12, $0x7  }
0x4e: {  	v13 =	vand.u32 $0x1C00, v13;
	v42 =	vshll.u32 v41, $0xA;
	v12 =	vand.u32 $0x380, v12  }
0x4f: {  	v15 =	vand.u32 $0xFFFFE000, v42;
	v12 =	vor.u32 v12, v13  }
0x50: {  	vm10 =	vlt.u32 v41, $0x28;
	v12 =	vor.u32 v15, v12  }
0x51: {  	s28 =	sadd.s32 $0xFFFFFFC0, s17;
	v12 =	vor.u32 v3, v12  }
0x52: {  	v43 =	vor.u32 s28, v10;
	_ =	sdelay $0x3  }
0x53: {  	[tilespmem:v12+s10+$0x0] =	vst.idx.msk vm10, v9  }
0x54: {  	v12 =	vld.idx.msk [tilespmem:v43+s3+$0x0], $0xffff;
	_ =	sdelay $0x3  }
0x55: {  	v44 =	vmov s28  }
0x56: {  	v13 =	vshll.u32 v44, $0x3;
	v45 =	vsub.s32 v12, v11;
	v12 =	vshll.u32 v12, $0x7  }
0x57: {  	v13 =	vand.u32 $0x1C00, v13;
	v46 =	vshll.u32 v45, $0xA;
	v12 =	vand.u32 $0x380, v12  }
0x58: {  	v15 =	vand.u32 $0xFFFFE000, v46;
	v12 =	vor.u32 v12, v13  }
0x59: {  	vm11 =	vlt.u32 v45, $0x28;
	v12 =	vor.u32 v15, v12  }
0x5a: {  	s29 =	sadd.s32 $0xFFFFFFD0, s17;
	v12 =	vor.u32 v4, v12  }
0x5b: {  	v47 =	vor.u32 s29, v10;
	_ =	sdelay $0x3  }
0x5c: {  	[tilespmem:v12+s10+$0x0] =	vst.idx.msk vm11, v9  }
0x5d: {  	v12 =	vld.idx.msk [tilespmem:v47+s3+$0x0], $0xffff;
	_ =	sdelay $0x3  }
0x5e: {  	v48 =	vmov s29  }
0x5f: {  	v13 =	vshll.u32 v48, $0x3;
	v49 =	vsub.s32 v12, v11;
	v12 =	vshll.u32 v12, $0x7  }
0x60: {  	v13 =	vand.u32 $0x1C00, v13;
	v50 =	vshll.u32 v49, $0xA;
	v12 =	vand.u32 $0x380, v12  }
0x61: {  	v15 =	vand.u32 $0xFFFFE000, v50;
	v12 =	vor.u32 v12, v13  }
0x62: {  	vm12 =	vlt.u32 v49, $0x28;
	v12 =	vor.u32 v15, v12  }
0x63: {  	s30 =	sadd.s32 $0xFFFFFFE0, s17;
	v12 =	vor.u32 v5, v12  }
0x64: {  	v51 =	vor.u32 s30, v10;
	_ =	sdelay $0x3  }
0x65: {  	[tilespmem:v12+s10+$0x0] =	vst.idx.msk vm12, v9  }
0x66: {  	v12 =	vld.idx.msk [tilespmem:v51+s3+$0x0], $0xffff;
	_ =	sdelay $0x3  }
0x67: {  	v52 =	vmov s30  }
0x68: {  	v13 =	vshll.u32 v52, $0x3;
	v53 =	vsub.s32 v12, v11;
	v12 =	vshll.u32 v12, $0x7  }
0x69: {  	v13 =	vand.u32 $0x1C00, v13;
	v54 =	vshll.u32 v53, $0xA;
	v12 =	vand.u32 $0x380, v12  }
0x6a: {  	v15 =	vand.u32 $0xFFFFE000, v54;
	v12 =	vor.u32 v12, v13  }
0x6b: {  	vm13 =	vlt.u32 v53, $0x28;
	v12 =	vor.u32 v15, v12  }
0x6c: {  	s31 =	sadd.s32 $0xFFFFFFF0, s17;
	v12 =	vor.u32 v6, v12  }
0x6d: {  	v55 =	vor.u32 s31, v10;
	_ =	sdelay $0x3  }
0x6e: {  	[tilespmem:v12+s10+$0x0] =	vst.idx.msk vm13, v9  }
0x6f: {  	v12 =	vld.idx.msk [tilespmem:v55+s3+$0x0], $0xffff;
	_ =	sdelay $0x3  }
0x70: {  	v56 =	vmov s31  }
0x71: {  	v13 =	vshll.u32 v56, $0x3;
	v57 =	vsub.s32 v12, v11;
	v12 =	vshll.u32 v12, $0x7  }
0x72: {  	v13 =	vand.u32 $0x1C00, v13;
	v58 =	vshll.u32 v57, $0xA;
	v12 =	vand.u32 $0x380, v12  }
0x73: {  	v15 =	vand.u32 $0xFFFFE000, v58;
	v12 =	vor.u32 v12, v13  }
0x74: {  	vm14 =	vlt.u32 v57, $0x28;
	v12 =	vor.u32 v15, v12  }
0x75: {  	v12 =	vor.u32 v7, v12  }
0x76: {  	v59 =	vor.u32 s17, v10;
	_ =	sdelay $0x3  }
0x77: {  	[tilespmem:v12+s10+$0x0] =	vst.idx.msk vm14, v9  }
0x78: {  	v12 =	vld.idx.msk [tilespmem:v59+s3+$0x0], $0xffff;
	_ =	sdelay $0x3  }
0x79: {  	v60 =	vmov s17  }
0x7a: {  	v13 =	vshll.u32 v60, $0x3;
	v61 =	vsub.s32 v12, v11;
	v12 =	vshll.u32 v12, $0x7  }
0x7b: {  	v13 =	vand.u32 $0x1C00, v13;
	v62 =	vshll.u32 v61, $0xA;
	v12 =	vand.u32 $0x380, v12  }
0x7c: {  	v12 =	vor.u32 v12, v13;
	v63 =	vand.u32 $0xFFFFE000, v62  }
0x7d: {  	vm15 =	vlt.u32 v61, $0x28;
	v12 =	vor.u32 v63, v12  }
0x7e: {  	p2 =	sne.s32 s17, $0x3F0;
	v12 =	vor.u32 v8, v12  }
.Ltmp5:
0x7f: {  	_ = 	snop;
	(pc) =	sbr.rel @p2 .LBB2_4-.Ltmp5, $2  }
0x80: {  	_ =	sdelay $0x2  }
0x81: {  	s17 =	sadd.s32 $0x80, s17;
	[tilespmem:v12+s10+$0x0] =	vst.idx.msk vm15, v9  }
.LBB2_5:
0x82: {  	s17 =	smul.u32 $0x47AF, s16;
	_ =	sdelay $0x1  }
0x83: {  	s17 =	sshrl.u32 s17, $0x10  }
0x84: {  	s18 =	ssub.s32 s16, s17  }
0x85: {  	s18 =	sand.u32 $0xFFFE, s18  }
0x86: {  	s18 =	sshrl.u32 s18, $0x1  }
0x87: {  	s17 =	sadd.s32 s17, s18  }
0x88: {  	s17 =	sand.u32 $0xFFF0, s17  }
0x89: {  	s17 =	sshrl.u32 s17, $0x4  }
0x8a: {  	s31 =	smul.u32 $0x19, s17;
	_ =	sdelay $0x1  }
0x8b: {  	s18 =	ssub.s32 s16, s31  }
0x8c: {  	s18 =	sand.u32 $0xFFFF, s18  }
0x8d: {  	s19 =	smul.u32 $0x28, s18  }
0x8e: {  	s20 =	sshll.u32 s17, $0xA  }
0x8f: {  	v10 =	vor.u32 s20, v0;
	v11 =	vmov s19;
	s19 =	simm.s32 $0x70  }
.LBB2_6:
0x90: {  	s20 =	sadd.s32 $0xFFFFFF90, s19  }
0x91: {  	v12 =	vor.u32 s20, v10;
	_ =	sdelay $0x4  }
0x92: {  	v12 =	vld.idx.msk [tilespmem:v12+s3+$0x0], $0xffff;
	_ =	sdelay $0x4  }
0x93: {  	v13 =	vsub.s32 v12, v11  }
0x94: {  	v14 =	vmov s20;
	v15 =	vshll.u32 v13, $0xA  }
0x95: {  	v14 =	vshll.u32 v14, $0x3;
	v12 =	vshll.u32 v12, $0x7;
	v15 =	vand.u32 $0xFFFFE000, v15  }
0x96: {  	v12 =	vand.u32 $0x380, v12;
	v14 =	vadd.s32 v14, v15  }
0x97: {  	vm0 =	vlt.u32 v13, $0x28;
	v12 =	vor.u32 v12, v14  }
0x98: {  	s25 =	sadd.s32 $0xFFFFFFA0, s19;
	v12 =	vor.u32 v0, v12  }
0x99: {  	v35 =	vor.u32 s25, v10;
	_ =	sdelay $0x3  }
0x9a: {  	[tilespmem:v12+s10+$0x0] =	vst.idx.msk vm0, v1  }
0x9b: {  	v12 =	vld.idx.msk [tilespmem:v35+s3+$0x0], $0xffff;
	_ =	sdelay $0x3  }
0x9c: {  	v36 =	vmov s25  }
0x9d: {  	v13 =	vshll.u32 v36, $0x3;
	v37 =	vsub.s32 v12, v11;
	v12 =	vshll.u32 v12, $0x7  }
0x9e: {  	v13 =	vand.u32 $0x1C00, v13;
	v38 =	vshll.u32 v37, $0xA;
	v12 =	vand.u32 $0x380, v12  }
0x9f: {  	v15 =	vand.u32 $0xFFFFE000, v38;
	v12 =	vor.u32 v12, v13  }
0xa0: {  	vm9 =	vlt.u32 v37, $0x28;
	v12 =	vor.u32 v15, v12  }
0xa1: {  	s26 =	sadd.s32 $0xFFFFFFB0, s19;
	v12 =	vor.u32 v2, v12  }
0xa2: {  	v39 =	vor.u32 s26, v10;
	_ =	sdelay $0x3  }
0xa3: {  	[tilespmem:v12+s10+$0x0] =	vst.idx.msk vm9, v1  }
0xa4: {  	v12 =	vld.idx.msk [tilespmem:v39+s3+$0x0], $0xffff;
	_ =	sdelay $0x3  }
0xa5: {  	v40 =	vmov s26  }
0xa6: {  	v13 =	vshll.u32 v40, $0x3;
	v41 =	vsub.s32 v12, v11;
	v12 =	vshll.u32 v12, $0x7  }
0xa7: {  	v13 =	vand.u32 $0x1C00, v13;
	v42 =	vshll.u32 v41, $0xA;
	v12 =	vand.u32 $0x380, v12  }
0xa8: {  	v15 =	vand.u32 $0xFFFFE000, v42;
	v12 =	vor.u32 v12, v13  }
0xa9: {  	vm10 =	vlt.u32 v41, $0x28;
	v12 =	vor.u32 v15, v12  }
0xaa: {  	s28 =	sadd.s32 $0xFFFFFFC0, s19;
	v12 =	vor.u32 v3, v12  }
0xab: {  	v43 =	vor.u32 s28, v10;
	_ =	sdelay $0x3  }
0xac: {  	[tilespmem:v12+s10+$0x0] =	vst.idx.msk vm10, v1  }
0xad: {  	v12 =	vld.idx.msk [tilespmem:v43+s3+$0x0], $0xffff;
	_ =	sdelay $0x3  }
0xae: {  	v44 =	vmov s28  }
0xaf: {  	v13 =	vshll.u32 v44, $0x3;
	v45 =	vsub.s32 v12, v11;
	v12 =	vshll.u32 v12, $0x7  }
0xb0: {  	v13 =	vand.u32 $0x1C00, v13;
	v46 =	vshll.u32 v45, $0xA;
	v12 =	vand.u32 $0x380, v12  }
0xb1: {  	v15 =	vand.u32 $0xFFFFE000, v46;
	v12 =	vor.u32 v12, v13  }
0xb2: {  	vm11 =	vlt.u32 v45, $0x28;
	v12 =	vor.u32 v15, v12  }
0xb3: {  	s29 =	sadd.s32 $0xFFFFFFD0, s19;
	v12 =	vor.u32 v4, v12  }
0xb4: {  	v47 =	vor.u32 s29, v10;
	_ =	sdelay $0x3  }
0xb5: {  	[tilespmem:v12+s10+$0x0] =	vst.idx.msk vm11, v1  }
0xb6: {  	v12 =	vld.idx.msk [tilespmem:v47+s3+$0x0], $0xffff;
	_ =	sdelay $0x3  }
0xb7: {  	v48 =	vmov s29  }
0xb8: {  	v13 =	vshll.u32 v48, $0x3;
	v49 =	vsub.s32 v12, v11;
	v12 =	vshll.u32 v12, $0x7  }
0xb9: {  	v13 =	vand.u32 $0x1C00, v13;
	v50 =	vshll.u32 v49, $0xA;
	v12 =	vand.u32 $0x380, v12  }
0xba: {  	v15 =	vand.u32 $0xFFFFE000, v50;
	v12 =	vor.u32 v12, v13  }
0xbb: {  	vm12 =	vlt.u32 v49, $0x28;
	v12 =	vor.u32 v15, v12  }
0xbc: {  	s30 =	sadd.s32 $0xFFFFFFE0, s19;
	v12 =	vor.u32 v5, v12  }
0xbd: {  	v51 =	vor.u32 s30, v10;
	_ =	sdelay $0x3  }
0xbe: {  	[tilespmem:v12+s10+$0x0] =	vst.idx.msk vm12, v1  }
0xbf: {  	v12 =	vld.idx.msk [tilespmem:v51+s3+$0x0], $0xffff;
	_ =	sdelay $0x3  }
0xc0: {  	v52 =	vmov s30  }
0xc1: {  	v13 =	vshll.u32 v52, $0x3;
	v53 =	vsub.s32 v12, v11;
	v12 =	vshll.u32 v12, $0x7  }
0xc2: {  	v13 =	vand.u32 $0x1C00, v13;
	v54 =	vshll.u32 v53, $0xA;
	v12 =	vand.u32 $0x380, v12  }
0xc3: {  	v15 =	vand.u32 $0xFFFFE000, v54;
	v12 =	vor.u32 v12, v13  }
0xc4: {  	vm13 =	vlt.u32 v53, $0x28;
	v12 =	vor.u32 v15, v12  }
0xc5: {  	s31 =	sadd.s32 $0xFFFFFFF0, s19;
	v12 =	vor.u32 v6, v12  }
0xc6: {  	v55 =	vor.u32 s31, v10;
	_ =	sdelay $0x3  }
0xc7: {  	[tilespmem:v12+s10+$0x0] =	vst.idx.msk vm13, v1  }
0xc8: {  	v12 =	vld.idx.msk [tilespmem:v55+s3+$0x0], $0xffff;
	_ =	sdelay $0x3  }
0xc9: {  	v56 =	vmov s31  }
0xca: {  	v13 =	vshll.u32 v56, $0x3;
	v57 =	vsub.s32 v12, v11;
	v12 =	vshll.u32 v12, $0x7  }
0xcb: {  	v13 =	vand.u32 $0x1C00, v13;
	v58 =	vshll.u32 v57, $0xA;
	v12 =	vand.u32 $0x380, v12  }
0xcc: {  	v15 =	vand.u32 $0xFFFFE000, v58;
	v12 =	vor.u32 v12, v13  }
0xcd: {  	vm14 =	vlt.u32 v57, $0x28;
	v12 =	vor.u32 v15, v12  }
0xce: {  	v12 =	vor.u32 v7, v12  }
0xcf: {  	v59 =	vor.u32 s19, v10;
	_ =	sdelay $0x3  }
0xd0: {  	[tilespmem:v12+s10+$0x0] =	vst.idx.msk vm14, v1  }
0xd1: {  	v12 =	vld.idx.msk [tilespmem:v59+s3+$0x0], $0xffff;
	_ =	sdelay $0x3  }
0xd2: {  	v60 =	vmov s19  }
0xd3: {  	v13 =	vshll.u32 v60, $0x3;
	v61 =	vsub.s32 v12, v11;
	v12 =	vshll.u32 v12, $0x7  }
0xd4: {  	v13 =	vand.u32 $0x1C00, v13;
	v62 =	vshll.u32 v61, $0xA;
	v12 =	vand.u32 $0x380, v12  }
0xd5: {  	v12 =	vor.u32 v12, v13;
	v63 =	vand.u32 $0xFFFFE000, v62  }
0xd6: {  	vm15 =	vlt.u32 v61, $0x28;
	v12 =	vor.u32 v63, v12  }
0xd7: {  	p2 =	sne.s32 s19, $0x3F0;
	v12 =	vor.u32 v8, v12  }
.Ltmp6:
0xd8: {  	_ = 	snop;
	(pc) =	sbr.rel @p2 .LBB2_6-.Ltmp6, $2  }
0xd9: {  	_ =	sdelay $0x2  }
0xda: {  	s19 =	sadd.s32 $0x80, s19;
	[tilespmem:v12+s10+$0x0] =	vst.idx.msk vm15, v1  }
0xdb: {  	s17 =	smul.u32 $0xFA000, s17  }
0xdc: {  	s18 =	smul.u32 $0xA000, s18;
	_ =	sdelay $0x1  }
.Ltmp7:
0xdd: {  	s17 =	sadd.s32 s18, s17;
	(pc) =	sbr.rel @p1 .LBB2_10-.Ltmp7, $4  }
0xde: {  	s17 =	sshrl.u32 s17, $0x3  }
0xdf: {  	s17 =	sadd.s32 s2, s17  }
0xe0: {  	[hbm4b:s17+s3] =	stream.linear.scatter [tilespmem:s10], [sflag:$0x1], $0xA000, $0x38;
	[tilespmem:$0x19000] =	vst v63  }
0xe1: {  	s17 =	sor.u32 $0x20, s16  }
0xe2: {  	s16 =	sadd.s32 $0xFFFFFFE0, s16  }
0xe3: {  	s18 =	smulhi.u32 $0x51EB851F, s16;
	s19 =	sshra.s32 s16, $0x1F  }
0xe4: {  	s19 =	smul.u32 $0x51EB851F, s19;
	_ =	sdelay $0x1  }
0xe5: {  	s18 =	sadd.s32 s19, s18  }
0xe6: {  	s19 =	sshrl.u32 s18, $0x1F;
	s18 =	sshra.s32 s18, $0x3  }
0xe7: {  	s18 =	sadd.s32 s19, s18  }
0xe8: {  	s19 =	smul.u32 $0xFFFFFFE7, s18;
	_ =	sdelay $0x1  }
0xe9: {  	s16 =	sadd.s32 s16, s19  }
0xea: {  	p1 =	slt.u32 s17, $0x41;
	p2 =	sne.s32 s16, $0x0  }
0xeb: {  	s19 =	simm.s32 $0x1;
	p1 =	por !p1, !p2  }
0xec: {  	s20 =	sadd.s32 $0x19, s16;
	p2 =	slt.s32 s16, $0x0;
	p1 =	por !p1, !p1  }
0xed: {  	s16 =	smov.u32 @p2 s20;
	s19 =	simm.s32 @!p1 $0x0  }
0xee: {  	_ =	swait.ge [sflag:s13], $0xA000;
	s16 =	smul.u32 $0x28, s16;
	s18 =	ssub.s32 s18, s19  }
0xef: {  	[sflag:s13] =	ssyncset.done $0x0;
	s18 =	sshll.u32 s18, $0xA  }
0xf0: {  	[sflag:s13] =	ssyncadd.s32 $0xFFFF6000;
	v11 =	vmov s16;
	s16 =	simm.s32 $0x70;
	v10 =	vor.u32 s18, v0  }
.LBB2_9:
0xf1: {  	s18 =	sadd.s32 $0xFFFFFF90, s16  }
0xf2: {  	v12 =	vor.u32 s18, v10;
	_ =	sdelay $0x4  }
0xf3: {  	v12 =	vld.idx.msk [tilespmem:v12+s3+$0x0], $0xffff;
	_ =	sdelay $0x4  }
0xf4: {  	v13 =	vsub.s32 v12, v11  }
0xf5: {  	v14 =	vmov s18;
	v15 =	vshll.u32 v13, $0xA  }
0xf6: {  	v14 =	vshll.u32 v14, $0x3;
	v12 =	vshll.u32 v12, $0x7;
	v15 =	vand.u32 $0xFFFFE000, v15  }
0xf7: {  	v12 =	vand.u32 $0x380, v12;
	v14 =	vadd.s32 v14, v15  }
0xf8: {  	vm0 =	vlt.u32 v13, $0x28;
	v12 =	vor.u32 v12, v14  }
0xf9: {  	s25 =	sadd.s32 $0xFFFFFFA0, s16;
	v12 =	vor.u32 v0, v12  }
0xfa: {  	v35 =	vor.u32 s25, v10;
	_ =	sdelay $0x3  }
0xfb: {  	[tilespmem:v12+s11+$0x0] =	vst.idx.msk vm0, v9  }
0xfc: {  	v12 =	vld.idx.msk [tilespmem:v35+s3+$0x0], $0xffff;
	_ =	sdelay $0x3  }
0xfd: {  	v36 =	vmov s25  }
0xfe: {  	v13 =	vshll.u32 v36, $0x3;
	v37 =	vsub.s32 v12, v11;
	v12 =	vshll.u32 v12, $0x7  }
0xff: {  	v13 =	vand.u32 $0x1C00, v13;
	v38 =	vshll.u32 v37, $0xA;
	v12 =	vand.u32 $0x380, v12  }
0x100: {  	v15 =	vand.u32 $0xFFFFE000, v38;
	v12 =	vor.u32 v12, v13  }
0x101: {  	vm9 =	vlt.u32 v37, $0x28;
	v12 =	vor.u32 v15, v12  }
0x102: {  	s26 =	sadd.s32 $0xFFFFFFB0, s16;
	v12 =	vor.u32 v2, v12  }
0x103: {  	v39 =	vor.u32 s26, v10;
	_ =	sdelay $0x3  }
0x104: {  	[tilespmem:v12+s11+$0x0] =	vst.idx.msk vm9, v9  }
0x105: {  	v12 =	vld.idx.msk [tilespmem:v39+s3+$0x0], $0xffff;
	_ =	sdelay $0x3  }
0x106: {  	v40 =	vmov s26  }
0x107: {  	v13 =	vshll.u32 v40, $0x3;
	v41 =	vsub.s32 v12, v11;
	v12 =	vshll.u32 v12, $0x7  }
0x108: {  	v13 =	vand.u32 $0x1C00, v13;
	v42 =	vshll.u32 v41, $0xA;
	v12 =	vand.u32 $0x380, v12  }
0x109: {  	v15 =	vand.u32 $0xFFFFE000, v42;
	v12 =	vor.u32 v12, v13  }
0x10a: {  	vm10 =	vlt.u32 v41, $0x28;
	v12 =	vor.u32 v15, v12  }
0x10b: {  	s28 =	sadd.s32 $0xFFFFFFC0, s16;
	v12 =	vor.u32 v3, v12  }
0x10c: {  	v43 =	vor.u32 s28, v10;
	_ =	sdelay $0x3  }
0x10d: {  	[tilespmem:v12+s11+$0x0] =	vst.idx.msk vm10, v9  }
0x10e: {  	v12 =	vld.idx.msk [tilespmem:v43+s3+$0x0], $0xffff;
	_ =	sdelay $0x3  }
0x10f: {  	v44 =	vmov s28  }
0x110: {  	v13 =	vshll.u32 v44, $0x3;
	v45 =	vsub.s32 v12, v11;
	v12 =	vshll.u32 v12, $0x7  }
0x111: {  	v13 =	vand.u32 $0x1C00, v13;
	v46 =	vshll.u32 v45, $0xA;
	v12 =	vand.u32 $0x380, v12  }
0x112: {  	v15 =	vand.u32 $0xFFFFE000, v46;
	v12 =	vor.u32 v12, v13  }
0x113: {  	vm11 =	vlt.u32 v45, $0x28;
	v12 =	vor.u32 v15, v12  }
0x114: {  	s29 =	sadd.s32 $0xFFFFFFD0, s16;
	v12 =	vor.u32 v4, v12  }
0x115: {  	v47 =	vor.u32 s29, v10;
	_ =	sdelay $0x3  }
0x116: {  	[tilespmem:v12+s11+$0x0] =	vst.idx.msk vm11, v9  }
0x117: {  	v12 =	vld.idx.msk [tilespmem:v47+s3+$0x0], $0xffff;
	_ =	sdelay $0x3  }
0x118: {  	v48 =	vmov s29  }
0x119: {  	v13 =	vshll.u32 v48, $0x3;
	v49 =	vsub.s32 v12, v11;
	v12 =	vshll.u32 v12, $0x7  }
0x11a: {  	v13 =	vand.u32 $0x1C00, v13;
	v50 =	vshll.u32 v49, $0xA;
	v12 =	vand.u32 $0x380, v12  }
0x11b: {  	v15 =	vand.u32 $0xFFFFE000, v50;
	v12 =	vor.u32 v12, v13  }
0x11c: {  	vm12 =	vlt.u32 v49, $0x28;
	v12 =	vor.u32 v15, v12  }
0x11d: {  	s30 =	sadd.s32 $0xFFFFFFE0, s16;
	v12 =	vor.u32 v5, v12  }
0x11e: {  	v51 =	vor.u32 s30, v10;
	_ =	sdelay $0x3  }
0x11f: {  	[tilespmem:v12+s11+$0x0] =	vst.idx.msk vm12, v9  }
0x120: {  	v12 =	vld.idx.msk [tilespmem:v51+s3+$0x0], $0xffff;
	_ =	sdelay $0x3  }
0x121: {  	v52 =	vmov s30  }
0x122: {  	v13 =	vshll.u32 v52, $0x3;
	v53 =	vsub.s32 v12, v11;
	v12 =	vshll.u32 v12, $0x7  }
0x123: {  	v13 =	vand.u32 $0x1C00, v13;
	v54 =	vshll.u32 v53, $0xA;
	v12 =	vand.u32 $0x380, v12  }
0x124: {  	v15 =	vand.u32 $0xFFFFE000, v54;
	v12 =	vor.u32 v12, v13  }
0x125: {  	vm13 =	vlt.u32 v53, $0x28;
	v12 =	vor.u32 v15, v12  }
0x126: {  	s31 =	sadd.s32 $0xFFFFFFF0, s16;
	v12 =	vor.u32 v6, v12  }
0x127: {  	v55 =	vor.u32 s31, v10;
	_ =	sdelay $0x3  }
0x128: {  	[tilespmem:v12+s11+$0x0] =	vst.idx.msk vm13, v9  }
0x129: {  	v12 =	vld.idx.msk [tilespmem:v55+s3+$0x0], $0xffff;
	_ =	sdelay $0x3  }
0x12a: {  	v56 =	vmov s31  }
0x12b: {  	v13 =	vshll.u32 v56, $0x3;
	v57 =	vsub.s32 v12, v11;
	v12 =	vshll.u32 v12, $0x7  }
0x12c: {  	v13 =	vand.u32 $0x1C00, v13;
	v58 =	vshll.u32 v57, $0xA;
	v12 =	vand.u32 $0x380, v12  }
0x12d: {  	v15 =	vand.u32 $0xFFFFE000, v58;
	v12 =	vor.u32 v12, v13  }
0x12e: {  	vm14 =	vlt.u32 v57, $0x28;
	v12 =	vor.u32 v15, v12  }
0x12f: {  	v12 =	vor.u32 v7, v12  }
0x130: {  	v59 =	vor.u32 s16, v10;
	_ =	sdelay $0x3  }
0x131: {  	[tilespmem:v12+s11+$0x0] =	vst.idx.msk vm14, v9  }
0x132: {  	v12 =	vld.idx.msk [tilespmem:v59+s3+$0x0], $0xffff;
	_ =	sdelay $0x3  }
0x133: {  	v60 =	vmov s16  }
0x134: {  	v13 =	vshll.u32 v60, $0x3;
	v61 =	vsub.s32 v12, v11;
	v12 =	vshll.u32 v12, $0x7  }
0x135: {  	v13 =	vand.u32 $0x1C00, v13;
	v62 =	vshll.u32 v61, $0xA;
	v12 =	vand.u32 $0x380, v12  }
0x136: {  	v12 =	vor.u32 v12, v13;
	v63 =	vand.u32 $0xFFFFE000, v62  }
0x137: {  	vm15 =	vlt.u32 v61, $0x28;
	v12 =	vor.u32 v63, v12  }
0x138: {  	p1 =	sne.s32 s16, $0x3F0;
	v12 =	vor.u32 v8, v12  }
.Ltmp8:
0x139: {  	_ = 	snop;
	(pc) =	sbr.rel @p1 .LBB2_9-.Ltmp8, $2  }
0x13a: {  	_ =	sdelay $0x2  }
0x13b: {  	s16 =	sadd.s32 $0x80, s16;
	[tilespmem:v12+s11+$0x0] =	vst.idx.msk vm15, v9  }
.LBB2_10:
0x13c: {  	p1 =	sgt.u32 s17, $0x1F3  }
.Ltmp9:
0x13d: {  	_ = 	snop;
	(pc) =	sbr.rel @p1 .LBB2_14-.Ltmp9, $1  }
0x13e: {  	_ =	sdelay $0x3  }
0x13f: {  	s16 =	smul.u32 $0x47AF, s17;
	_ =	sdelay $0x1  }
0x140: {  	s16 =	sshrl.u32 s16, $0x10  }
0x141: {  	s18 =	ssub.s32 s17, s16  }
0x142: {  	s18 =	sand.u32 $0xFFFE, s18  }
0x143: {  	s18 =	sshrl.u32 s18, $0x1  }
0x144: {  	s16 =	sadd.s32 s16, s18  }
0x145: {  	s16 =	sand.u32 $0xFFF0, s16  }
0x146: {  	s16 =	sshrl.u32 s16, $0x4  }
0x147: {  	s29 =	smul.u32 $0x19, s16;
	_ =	sdelay $0x1  }
0x148: {  	s30 =	ssub.s32 s17, s29  }
0x149: {  	s17 =	sand.u32 $0xFFFF, s30  }
0x14a: {  	s31 =	smul.u32 $0x28, s17  }
0x14b: {  	s19 =	sshll.u32 s16, $0xA  }
0x14c: {  	s18 =	simm.s32 $0x70;
	v10 =	vor.u32 s19, v0;
	v11 =	vmov s31  }
.LBB2_12:
0x14d: {  	s19 =	sadd.s32 $0xFFFFFF90, s18  }
0x14e: {  	v12 =	vor.u32 s19, v10;
	_ =	sdelay $0x4  }
0x14f: {  	v12 =	vld.idx.msk [tilespmem:v12+s3+$0x0], $0xffff;
	_ =	sdelay $0x4  }
0x150: {  	v13 =	vsub.s32 v12, v11  }
0x151: {  	v14 =	vmov s19;
	v15 =	vshll.u32 v13, $0xA  }
0x152: {  	v14 =	vshll.u32 v14, $0x3;
	v12 =	vshll.u32 v12, $0x7;
	v15 =	vand.u32 $0xFFFFE000, v15  }
0x153: {  	v12 =	vand.u32 $0x380, v12;
	v14 =	vadd.s32 v14, v15  }
0x154: {  	vm0 =	vlt.u32 v13, $0x28;
	v12 =	vor.u32 v12, v14  }
0x155: {  	s25 =	sadd.s32 $0xFFFFFFA0, s18;
	v12 =	vor.u32 v0, v12  }
0x156: {  	v35 =	vor.u32 s25, v10;
	_ =	sdelay $0x3  }
0x157: {  	[tilespmem:v12+s11+$0x0] =	vst.idx.msk vm0, v1  }
0x158: {  	v12 =	vld.idx.msk [tilespmem:v35+s3+$0x0], $0xffff;
	_ =	sdelay $0x3  }
0x159: {  	v36 =	vmov s25  }
0x15a: {  	v13 =	vshll.u32 v36, $0x3;
	v37 =	vsub.s32 v12, v11;
	v12 =	vshll.u32 v12, $0x7  }
0x15b: {  	v13 =	vand.u32 $0x1C00, v13;
	v38 =	vshll.u32 v37, $0xA;
	v12 =	vand.u32 $0x380, v12  }
0x15c: {  	v15 =	vand.u32 $0xFFFFE000, v38;
	v12 =	vor.u32 v12, v13  }
0x15d: {  	vm9 =	vlt.u32 v37, $0x28;
	v12 =	vor.u32 v15, v12  }
0x15e: {  	s26 =	sadd.s32 $0xFFFFFFB0, s18;
	v12 =	vor.u32 v2, v12  }
0x15f: {  	v39 =	vor.u32 s26, v10;
	_ =	sdelay $0x3  }
0x160: {  	[tilespmem:v12+s11+$0x0] =	vst.idx.msk vm9, v1  }
0x161: {  	v12 =	vld.idx.msk [tilespmem:v39+s3+$0x0], $0xffff;
	_ =	sdelay $0x3  }
0x162: {  	v40 =	vmov s26  }
0x163: {  	v13 =	vshll.u32 v40, $0x3;
	v41 =	vsub.s32 v12, v11;
	v12 =	vshll.u32 v12, $0x7  }
0x164: {  	v13 =	vand.u32 $0x1C00, v13;
	v42 =	vshll.u32 v41, $0xA;
	v12 =	vand.u32 $0x380, v12  }
0x165: {  	v15 =	vand.u32 $0xFFFFE000, v42;
	v12 =	vor.u32 v12, v13  }
0x166: {  	vm10 =	vlt.u32 v41, $0x28;
	v12 =	vor.u32 v15, v12  }
0x167: {  	s28 =	sadd.s32 $0xFFFFFFC0, s18;
	v12 =	vor.u32 v3, v12  }
0x168: {  	v43 =	vor.u32 s28, v10;
	_ =	sdelay $0x3  }
0x169: {  	[tilespmem:v12+s11+$0x0] =	vst.idx.msk vm10, v1  }
0x16a: {  	v12 =	vld.idx.msk [tilespmem:v43+s3+$0x0], $0xffff;
	_ =	sdelay $0x3  }
0x16b: {  	v44 =	vmov s28  }
0x16c: {  	v13 =	vshll.u32 v44, $0x3;
	v45 =	vsub.s32 v12, v11;
	v12 =	vshll.u32 v12, $0x7  }
0x16d: {  	v13 =	vand.u32 $0x1C00, v13;
	v46 =	vshll.u32 v45, $0xA;
	v12 =	vand.u32 $0x380, v12  }
0x16e: {  	v15 =	vand.u32 $0xFFFFE000, v46;
	v12 =	vor.u32 v12, v13  }
0x16f: {  	vm11 =	vlt.u32 v45, $0x28;
	v12 =	vor.u32 v15, v12  }
0x170: {  	s29 =	sadd.s32 $0xFFFFFFD0, s18;
	v12 =	vor.u32 v4, v12  }
0x171: {  	v47 =	vor.u32 s29, v10;
	_ =	sdelay $0x3  }
0x172: {  	[tilespmem:v12+s11+$0x0] =	vst.idx.msk vm11, v1  }
0x173: {  	v12 =	vld.idx.msk [tilespmem:v47+s3+$0x0], $0xffff;
	_ =	sdelay $0x3  }
0x174: {  	v48 =	vmov s29  }
0x175: {  	v13 =	vshll.u32 v48, $0x3;
	v49 =	vsub.s32 v12, v11;
	v12 =	vshll.u32 v12, $0x7  }
0x176: {  	v13 =	vand.u32 $0x1C00, v13;
	v50 =	vshll.u32 v49, $0xA;
	v12 =	vand.u32 $0x380, v12  }
0x177: {  	v15 =	vand.u32 $0xFFFFE000, v50;
	v12 =	vor.u32 v12, v13  }
0x178: {  	vm12 =	vlt.u32 v49, $0x28;
	v12 =	vor.u32 v15, v12  }
0x179: {  	s30 =	sadd.s32 $0xFFFFFFE0, s18;
	v12 =	vor.u32 v5, v12  }
0x17a: {  	v51 =	vor.u32 s30, v10;
	_ =	sdelay $0x3  }
0x17b: {  	[tilespmem:v12+s11+$0x0] =	vst.idx.msk vm12, v1  }
0x17c: {  	v12 =	vld.idx.msk [tilespmem:v51+s3+$0x0], $0xffff;
	_ =	sdelay $0x3  }
0x17d: {  	v52 =	vmov s30  }
0x17e: {  	v13 =	vshll.u32 v52, $0x3;
	v53 =	vsub.s32 v12, v11;
	v12 =	vshll.u32 v12, $0x7  }
0x17f: {  	v13 =	vand.u32 $0x1C00, v13;
	v54 =	vshll.u32 v53, $0xA;
	v12 =	vand.u32 $0x380, v12  }
0x180: {  	v15 =	vand.u32 $0xFFFFE000, v54;
	v12 =	vor.u32 v12, v13  }
0x181: {  	vm13 =	vlt.u32 v53, $0x28;
	v12 =	vor.u32 v15, v12  }
0x182: {  	s31 =	sadd.s32 $0xFFFFFFF0, s18;
	v12 =	vor.u32 v6, v12  }
0x183: {  	v55 =	vor.u32 s31, v10;
	_ =	sdelay $0x3  }
0x184: {  	[tilespmem:v12+s11+$0x0] =	vst.idx.msk vm13, v1  }
0x185: {  	v12 =	vld.idx.msk [tilespmem:v55+s3+$0x0], $0xffff;
	_ =	sdelay $0x3  }
0x186: {  	v56 =	vmov s31  }
0x187: {  	v13 =	vshll.u32 v56, $0x3;
	v57 =	vsub.s32 v12, v11;
	v12 =	vshll.u32 v12, $0x7  }
0x188: {  	v13 =	vand.u32 $0x1C00, v13;
	v58 =	vshll.u32 v57, $0xA;
	v12 =	vand.u32 $0x380, v12  }
0x189: {  	v15 =	vand.u32 $0xFFFFE000, v58;
	v12 =	vor.u32 v12, v13  }
0x18a: {  	vm14 =	vlt.u32 v57, $0x28;
	v12 =	vor.u32 v15, v12  }
0x18b: {  	v12 =	vor.u32 v7, v12  }
0x18c: {  	v59 =	vor.u32 s18, v10;
	_ =	sdelay $0x3  }
0x18d: {  	[tilespmem:v12+s11+$0x0] =	vst.idx.msk vm14, v1  }
0x18e: {  	v12 =	vld.idx.msk [tilespmem:v59+s3+$0x0], $0xffff;
	_ =	sdelay $0x3  }
0x18f: {  	v60 =	vmov s18  }
0x190: {  	v13 =	vshll.u32 v60, $0x3;
	v61 =	vsub.s32 v12, v11;
	v12 =	vshll.u32 v12, $0x7  }
0x191: {  	v13 =	vand.u32 $0x1C00, v13;
	v62 =	vshll.u32 v61, $0xA;
	v12 =	vand.u32 $0x380, v12  }
0x192: {  	v12 =	vor.u32 v12, v13;
	v63 =	vand.u32 $0xFFFFE000, v62  }
0x193: {  	vm15 =	vlt.u32 v61, $0x28;
	v12 =	vor.u32 v63, v12  }
0x194: {  	p1 =	sne.s32 s18, $0x3F0;
	v12 =	vor.u32 v8, v12  }
.Ltmp10:
0x195: {  	_ = 	snop;
	(pc) =	sbr.rel @p1 .LBB2_12-.Ltmp10, $2  }
0x196: {  	_ =	sdelay $0x2  }
0x197: {  	s18 =	sadd.s32 $0x80, s18;
	[tilespmem:v12+s11+$0x0] =	vst.idx.msk vm15, v1  }
0x198: {  	s16 =	smul.u32 $0xFA000, s16  }
0x199: {  	s17 =	smul.u32 $0xA000, s17  }
.Ltmp11:
0x19a: {  	_ = 	snop;
	(pc) =	sbr.rel .LBB2_14-.Ltmp11, $4  }
0x19b: {  	s16 =	sadd.s32 s17, s16  }
0x19c: {  	s16 =	sshrl.u32 s16, $0x3  }
0x19d: {  	s16 =	sadd.s32 s2, s16  }
0x19e: {  	[hbm4b:s16+s3] =	stream.linear.scatter [tilespmem:s11], [sflag:$0x2], $0xA000, $0x38;
	[tilespmem:$0x19000] =	vst v63  }
.LBB2_16:
0x19f: {  	_ =	sfence.sel $0x180000  }
0x1a0: {  	[bflag:$0x0] =	sbarrier.arrive $0xFFFF  }
0x1a1: {  	p0 =	sne.s32 s5, $0x0;
	_ =	strace $0x90000047  }
0x1a2: {  	s0 =	sadd.s32 @!p0 $0x100000, s0;
	[bflag:$0x2] =	sbarrier.arrive $0xFFFF  }
0x1a3: {  	[sflag:s0] =	ssyncadd.tile.s32 @!p0 $0x1;
	_ =	shalt  }
.Lfunc_end2:
_tile_overlayer_lowered:
.L_overlay_start_2:
0x1a4: {  	(tag) =	ssettag $0x2  }
0x1a5: {  	s0 =	rddreg [dreg:$0x0];
	s2 =	stileid.u32  }
0x1a6: {  	s1 =	rddreg [dreg:$0x1];
	p0 =	sne.s32 s2, $0x0  }
0x1a7: {  	s3 =	rddreg [dreg:$0x2];
	[bflag:$0x3] =	sbarrier.arrive $0xFFFF;
	s2 =	simm.s32 @!p0 $0x1C03  }
0x1a8: {  	[timem:s3], [sflag:s2] =	dma.local @!p0 [hbm:s0], s1  }
0x1a9: {  	s0 =	simm.s32 @!p0 $0x3  }
0x1aa: {  	_ =	swait.ge @!p0 [sflag:s0], s1  }
0x1ab: {  	s1 =	ssub.s32 @!p0 $0x0, s1;
	[sflag:s0] =	ssyncset.done @!p0 $0x0  }
0x1ac: {  	[sflag:s0] =	ssyncadd.s32 @!p0 s1  }
0x1ad: {  	[bflag:$0x3] =	sbarrier.arrive $0xFFFF  }
0x1ae: {  	_ =	shalt  }

</sc_bundles>
